<compile_context>
chip_gen: v7x
topology: tpu7x:2x2x1
jax: 0.10.2.dev20260603
libtpu: 0.0.44.dev20260713+nightly
codegen_flags: <defaults>
</compile_context>

<pallas_src>
import jax
import jax.numpy as jnp
from jax import lax
from jax.experimental import pallas as pl
from jax.experimental.pallas import tpu as pltpu
from jax.experimental.pallas import tpu_sc as plsc

B = 4096
L = 200
D = 64
NOUT = 3

NC = 2
NS = 16
NW = NC * NS
BPW = B // NW

CHUNKS = ((0, 0, 0, 128), (0, 128, 128, 72), (1, 0, 200, 128), (1, 128, 328, 72))
ROWS = 400


def _sc_body(idxh_hbm, idxp_hbm, lenh_hbm, lenp_hbm, embed_hbm, w_hbm,
             bias_hbm, out_hbm, idxh_v, idxp_v, lenh_v, lenp_v, w_v, bias_v,
             rowbuf, outbuf, semh0, semh1, semp0, semp1):
  wid = lax.axis_index("s") * NC + lax.axis_index("c")
  base = wid * BPW

  pltpu.sync_copy(idxh_hbm.at[pl.ds(base, BPW)], idxh_v)
  pltpu.sync_copy(idxp_hbm.at[pl.ds(base, BPW)], idxp_v)
  pltpu.sync_copy(lenh_hbm.at[pl.ds(base, BPW)], lenh_v.at[pl.ds(0, BPW)])
  pltpu.sync_copy(lenp_hbm.at[pl.ds(base, BPW)], lenp_v.at[pl.ds(0, BPW)])
  pltpu.sync_copy(w_hbm, w_v)
  pltpu.sync_copy(bias_hbm, bias_v)

  wv = [[w_v[pl.ds(o * D + k * 16, 16)] for k in range(4)]
        for o in range(NOUT)]
  bias = bias_v[...]
  lane = lax.iota(jnp.int32, 16)
  zero16 = jnp.zeros((16,), jnp.float32)
  sems = ((semh0, semh1), (semp0, semp1))
  idx_refs = (idxh_v, idxp_v)

  def start(ib, s, buf):
    for cs, c0, r0, n in CHUNKS:
      if cs == s:
        pltpu.async_copy(
            embed_hbm.at[idx_refs[s].at[ib, pl.ds(c0, n)]],
            rowbuf.at[buf, pl.ds(r0, n)],
            sems[s][buf])

  def drain(s, buf):
    pltpu.make_async_copy(
        embed_hbm.at[pl.ds(0, L)], rowbuf.at[buf, pl.ds(s * L, L)],
        sems[s][buf]).wait()

  def accumulate(buf, r0, nrows):
    rpi = 8

    def step(t, accs):
      accs = list(accs)
      for j in range(rpi):
        r = r0 + t * rpi + j
        for k in range(4):
          a = (j % 2) * 4 + k
          accs[a] = accs[a] + rowbuf[buf, r, pl.ds(k * 16, 16)]
      return tuple(accs)

    accs = lax.fori_loop(0, nrows // rpi, step, (zero16,) * 8)
    return [accs[k] + accs[4 + k] for k in range(4)]

  start(0, 0, 0)
  start(0, 1, 0)
  start(1, 0, 1)
  start(1, 1, 1)

  @pl.loop(0, BPW, step=2)
  def _(i):
    for buf in range(2):
      ib = i + buf
      drain(0, buf)
      acc_h = accumulate(buf, 0, 200)

      @pl.when(ib + 2 < BPW)
      def _():
        start(ib + 2, 0, buf)

      drain(1, buf)
      acc_p = accumulate(buf, 200, 200)

      @pl.when(ib + 2 < BPW)
      def _():
        start(ib + 2, 1, buf)

      invh = jnp.full((16,), lenh_v[pl.ds(ib, 16)][0])
      invp = jnp.full((16,), lenp_v[pl.ds(ib, 16)][0])
      pooled = [acc_h[k] * invh + acc_p[k] * invp for k in range(4)]

      outv = bias
      for o in range(NOUT):
        prod = (pooled[0] * wv[o][0] + pooled[1] * wv[o][1]
                + pooled[2] * wv[o][2] + pooled[3] * wv[o][3])
        s = jnp.sum(prod)
        outv = outv + jnp.where(lane == o, jnp.full((16,), s), 0.0)
      outbuf[ib, :] = outv

  pltpu.sync_copy(outbuf, out_hbm.at[pl.ds(base, BPW)])


@jax.jit
def kernel(data_hypo, length_hypo, data_prem, length_prem, embed, W, b):
  inv_lenh = 1.0 / length_hypo.astype(jnp.float32)
  inv_lenp = 1.0 / length_prem.astype(jnp.float32)
  w_flat = W.reshape(-1)
  bias_vec = jnp.zeros((16,), jnp.float32).at[:NOUT].set(b)

  run = pl.kernel(
      _sc_body,
      out_type=jax.ShapeDtypeStruct((B, 16), jnp.float32),
      mesh=plsc.VectorSubcoreMesh(
          core_axis_name="c", subcore_axis_name="s",
          num_cores=NC, num_subcores=NS),
      compiler_params=pltpu.CompilerParams(
          needs_layout_passes=False, use_tc_tiling_on_sc=False),
      scratch_types=[
          pltpu.VMEM((BPW, L), jnp.int32),
          pltpu.VMEM((BPW, L), jnp.int32),
          pltpu.VMEM((BPW + 16,), jnp.float32),
          pltpu.VMEM((BPW + 16,), jnp.float32),
          pltpu.VMEM((NOUT * D,), jnp.float32),
          pltpu.VMEM((16,), jnp.float32),
          pltpu.VMEM((2, ROWS, D), jnp.float32),
          pltpu.VMEM((BPW, 16), jnp.float32),
          pltpu.SemaphoreType.DMA,
          pltpu.SemaphoreType.DMA,
          pltpu.SemaphoreType.DMA,
          pltpu.SemaphoreType.DMA,
      ],
  )
  out_pad = run(data_hypo, data_prem, inv_lenh, inv_lenp, embed, w_flat,
                bias_vec)
  return out_pad[:, :NOUT]

# --- scband reference (transcript-rebuilt; emitter-appended) ---
"""Pipeline reference for scband-logistic-regression-py-torch-3195455668653 (READ-ONLY COPY).

The authoritative reference and input builder live on the scoring server;
editing this copy changes nothing except your own understanding.
"""

import jax, jax.numpy as jnp
import numpy as np

V = 1000000
D = 64
NOUT = 3
B = 4096
L = 200


def setup_inputs(seed: int = 0) -> dict:
    key = jax.random.key(seed)
    ks = jax.random.split(key, 8)
    data_hypo = jax.random.randint(ks[0], (B, L), 0, V, dtype=jnp.int32)
    data_prem = jax.random.randint(ks[1], (B, L), 0, V, dtype=jnp.int32)
    # lengths must be >= 1 to avoid division by zero (they represent sentence lengths)
    length_hypo = jax.random.randint(ks[2], (B,), 1, L + 1, dtype=jnp.int32)
    length_prem = jax.random.randint(ks[3], (B,), 1, L + 1, dtype=jnp.int32)
    embed = jax.random.normal(ks[4], (V, D), dtype=jnp.float32) * 0.02
    embed = embed.at[0].set(0.0)  # padding_idx=0 row is zero
    W = jax.random.normal(ks[5], (NOUT, D), dtype=jnp.float32) * (1.0 / np.sqrt(D))
    b = jax.random.uniform(ks[6], (NOUT,), dtype=jnp.float32, minval=-1.0 / np.sqrt(D), maxval=1.0 / np.sqrt(D))
    return {
        "data_hypo": data_hypo,
        "length_hypo": length_hypo,
        "data_prem": data_prem,
        "length_prem": length_prem,
        "embed": embed,
        "W": W,
        "b": b,
    }


def reference(data_hypo, length_hypo, data_prem, length_prem, embed, W, b):
    # nn.Embedding with padding_idx=0: row 0 is zero
    emb_table = embed.at[0].set(0.0)
    out_hypo = jnp.take(emb_table, data_hypo, axis=0)  # [B, L, D] gather
    out_prem = jnp.take(emb_table, data_prem, axis=0)  # [B, L, D] gather
    out_hypo = jnp.sum(out_hypo, axis=1)  # [B, D]
    out_prem = jnp.sum(out_prem, axis=1)  # [B, D]
    out_hypo = out_hypo / length_hypo[:, None].astype(jnp.float32)
    out_prem = out_prem / length_prem[:, None].astype(jnp.float32)
    # interaction_type == 'sum'
    out = out_hypo + out_prem
    out = out.astype(jnp.float32) @ W.T + b
    return out

if __name__ == "__main__":
    import jax
    _d = setup_inputs()
    print(jax.jit(kernel)(*tuple(_d.values())))

</pallas_src>

<mosaic_0001>
#map = affine_map<(d0, d1) -> (0, 0)>
#map1 = affine_map<(d0, d1) -> (0)>
module attributes {stable_mosaic.version = 14 : i64} {
  func.func @_sc_body(%arg0: i32, %arg1: i32, %arg2: memref<4096x200xi32, #tpu.memory_space<hbm>>, %arg3: memref<4096x200xi32, #tpu.memory_space<hbm>>, %arg4: memref<4096xf32, #tpu.memory_space<hbm>>, %arg5: memref<4096xf32, #tpu.memory_space<hbm>>, %arg6: memref<1000000x64xf32, #tpu.memory_space<hbm>>, %arg7: memref<192xf32, #tpu.memory_space<hbm>>, %arg8: memref<16xf32, #tpu.memory_space<hbm>>, %arg9: memref<4096x16xf32, #tpu.memory_space<hbm>>, %arg10: memref<128x200xi32, #tpu.memory_space<vmem>>, %arg11: memref<128x200xi32, #tpu.memory_space<vmem>>, %arg12: memref<144xf32, #tpu.memory_space<vmem>>, %arg13: memref<144xf32, #tpu.memory_space<vmem>>, %arg14: memref<192xf32, #tpu.memory_space<vmem>>, %arg15: memref<16xf32, #tpu.memory_space<vmem>>, %arg16: memref<2x400x64xf32, #tpu.memory_space<vmem>>, %arg17: memref<128x16xf32, #tpu.memory_space<vmem>>, %arg18: memref<!tpu.dma_semaphore, #tpu.memory_space<semaphore_mem>>, %arg19: memref<!tpu.dma_semaphore, #tpu.memory_space<semaphore_mem>>, %arg20: memref<!tpu.dma_semaphore, #tpu.memory_space<semaphore_mem>>, %arg21: memref<!tpu.dma_semaphore, #tpu.memory_space<semaphore_mem>>) attributes {dimension_semantics = [#tpu.dimension_semantics<core_parallel>, #tpu.dimension_semantics<subcore_parallel>], iteration_bounds = array<i64: 2, 16>, scalar_prefetch = 0 : i64, scratch_operands = 12 : i64, tpu.core_type = #tpu.core_type<sc_vector_subcore>, window_params = [{transform_indices = #map}, {transform_indices = #map}, {transform_indices = #map1}, {transform_indices = #map1}, {transform_indices = #map}, {transform_indices = #map1}, {transform_indices = #map1}, {transform_indices = #map}]} {
    %mul3A = arith.constant 2 : i32
    %mul3A_0 = arith.muli %arg1, %mul3A : i32
    %add3A = arith.addi %mul3A_0, %arg0 : i32
    %mul3A_1 = arith.constant 128 : i32
    %mul3A_2 = arith.muli %add3A, %mul3A_1 : i32
    "tpu.region"() ({
      %run_scoped3A = tpu.sem_alloc : memref<!tpu.dma_semaphore, #tpu.memory_space<semaphore_mem>>
      %dma_start3A_128 = arith.constant 0 : i32
      %dma_start3A_129 = tpu.memref_slice %arg2[%mul3A_2, %dma_start3A_128] : memref<4096x200xi32, #tpu.memory_space<hbm>> -> memref<128x200xi32, #tpu.memory_space<hbm>>
      %dma_start3A_130 = arith.constant 0 : i32
      %dma_start3A_131 = tpu.memref_slice %arg2[%mul3A_2, %dma_start3A_130] : memref<4096x200xi32, #tpu.memory_space<hbm>> -> memref<128x200xi32, #tpu.memory_space<hbm>>
      tpu.enqueue_dma source(%dma_start3A_131 : memref<128x200xi32, #tpu.memory_space<hbm>>) target(%arg10 : memref<128x200xi32, #tpu.memory_space<vmem>>) target_semaphore(%run_scoped3A : memref<!tpu.dma_semaphore, #tpu.memory_space<semaphore_mem>>)
      %dma_wait3A = arith.constant 0 : i32
      %dma_wait3A_132 = tpu.memref_slice %arg2[%mul3A_2, %dma_wait3A] : memref<4096x200xi32, #tpu.memory_space<hbm>> -> memref<128x200xi32, #tpu.memory_space<hbm>>
      %dma_wait3A_133 = arith.constant 0 : i32
      %dma_wait3A_134 = tpu.memref_slice %arg2[%mul3A_2, %dma_wait3A_133] : memref<4096x200xi32, #tpu.memory_space<hbm>> -> memref<128x200xi32, #tpu.memory_space<hbm>>
      tpu.wait_dma2 semaphore(%run_scoped3A : memref<!tpu.dma_semaphore, #tpu.memory_space<semaphore_mem>>) src(%dma_wait3A_134 : memref<128x200xi32, #tpu.memory_space<hbm>>) dst(%arg10 : memref<128x200xi32, #tpu.memory_space<vmem>>)
      tpu.yield
    }) : () -> ()
    "tpu.region"() ({
      %run_scoped3A = tpu.sem_alloc : memref<!tpu.dma_semaphore, #tpu.memory_space<semaphore_mem>>
      %dma_start3A_128 = arith.constant 0 : i32
      %dma_start3A_129 = tpu.memref_slice %arg3[%mul3A_2, %dma_start3A_128] : memref<4096x200xi32, #tpu.memory_space<hbm>> -> memref<128x200xi32, #tpu.memory_space<hbm>>
      %dma_start3A_130 = arith.constant 0 : i32
      %dma_start3A_131 = tpu.memref_slice %arg3[%mul3A_2, %dma_start3A_130] : memref<4096x200xi32, #tpu.memory_space<hbm>> -> memref<128x200xi32, #tpu.memory_space<hbm>>
      tpu.enqueue_dma source(%dma_start3A_131 : memref<128x200xi32, #tpu.memory_space<hbm>>) target(%arg11 : memref<128x200xi32, #tpu.memory_space<vmem>>) target_semaphore(%run_scoped3A : memref<!tpu.dma_semaphore, #tpu.memory_space<semaphore_mem>>)
      %dma_wait3A = arith.constant 0 : i32
      %dma_wait3A_132 = tpu.memref_slice %arg3[%mul3A_2, %dma_wait3A] : memref<4096x200xi32, #tpu.memory_space<hbm>> -> memref<128x200xi32, #tpu.memory_space<hbm>>
      %dma_wait3A_133 = arith.constant 0 : i32
      %dma_wait3A_134 = tpu.memref_slice %arg3[%mul3A_2, %dma_wait3A_133] : memref<4096x200xi32, #tpu.memory_space<hbm>> -> memref<128x200xi32, #tpu.memory_space<hbm>>
      tpu.wait_dma2 semaphore(%run_scoped3A : memref<!tpu.dma_semaphore, #tpu.memory_space<semaphore_mem>>) src(%dma_wait3A_134 : memref<128x200xi32, #tpu.memory_space<hbm>>) dst(%arg11 : memref<128x200xi32, #tpu.memory_space<vmem>>)
      tpu.yield
    }) : () -> ()
    "tpu.region"() ({
      %run_scoped3A = tpu.sem_alloc : memref<!tpu.dma_semaphore, #tpu.memory_space<semaphore_mem>>
      %dma_start3A_128 = arith.constant 0 : i32
      %dma_start3A_129 = tpu.memref_slice %arg12[%dma_start3A_128] : memref<144xf32, #tpu.memory_space<vmem>> -> memref<128xf32, #tpu.memory_space<vmem>>
      %dma_start3A_130 = tpu.memref_slice %arg4[%mul3A_2] : memref<4096xf32, #tpu.memory_space<hbm>> -> memref<128xf32, #tpu.memory_space<hbm>>
      %dma_start3A_131 = arith.constant 0 : i32
      %dma_start3A_132 = tpu.memref_slice %arg12[%dma_start3A_131] : memref<144xf32, #tpu.memory_space<vmem>> -> memref<128xf32, #tpu.memory_space<vmem>>
      %dma_start3A_133 = tpu.memref_slice %arg4[%mul3A_2] : memref<4096xf32, #tpu.memory_space<hbm>> -> memref<128xf32, #tpu.memory_space<hbm>>
      tpu.enqueue_dma source(%dma_start3A_133 : memref<128xf32, #tpu.memory_space<hbm>>) target(%dma_start3A_132 : memref<128xf32, #tpu.memory_space<vmem>>) target_semaphore(%run_scoped3A : memref<!tpu.dma_semaphore, #tpu.memory_space<semaphore_mem>>)
      %dma_wait3A = arith.constant 0 : i32
      %dma_wait3A_134 = tpu.memref_slice %arg12[%dma_wait3A] : memref<144xf32, #tpu.memory_space<vmem>> -> memref<128xf32, #tpu.memory_space<vmem>>
      %dma_wait3A_135 = tpu.memref_slice %arg4[%mul3A_2] : memref<4096xf32, #tpu.memory_space<hbm>> -> memref<128xf32, #tpu.memory_space<hbm>>
      %dma_wait3A_136 = arith.constant 0 : i32
      %dma_wait3A_137 = tpu.memref_slice %arg12[%dma_wait3A_136] : memref<144xf32, #tpu.memory_space<vmem>> -> memref<128xf32, #tpu.memory_space<vmem>>
      %dma_wait3A_138 = tpu.memref_slice %arg4[%mul3A_2] : memref<4096xf32, #tpu.memory_space<hbm>> -> memref<128xf32, #tpu.memory_space<hbm>>
      tpu.wait_dma2 semaphore(%run_scoped3A : memref<!tpu.dma_semaphore, #tpu.memory_space<semaphore_mem>>) src(%dma_wait3A_138 : memref<128xf32, #tpu.memory_space<hbm>>) dst(%dma_wait3A_137 : memref<128xf32, #tpu.memory_space<vmem>>)
      tpu.yield
    }) : () -> ()
    "tpu.region"() ({
      %run_scoped3A = tpu.sem_alloc : memref<!tpu.dma_semaphore, #tpu.memory_space<semaphore_mem>>
      %dma_start3A_128 = arith.constant 0 : i32
      %dma_start3A_129 = tpu.memref_slice %arg13[%dma_start3A_128] : memref<144xf32, #tpu.memory_space<vmem>> -> memref<128xf32, #tpu.memory_space<vmem>>
      %dma_start3A_130 = tpu.memref_slice %arg5[%mul3A_2] : memref<4096xf32, #tpu.memory_space<hbm>> -> memref<128xf32, #tpu.memory_space<hbm>>
      %dma_start3A_131 = arith.constant 0 : i32
      %dma_start3A_132 = tpu.memref_slice %arg13[%dma_start3A_131] : memref<144xf32, #tpu.memory_space<vmem>> -> memref<128xf32, #tpu.memory_space<vmem>>
      %dma_start3A_133 = tpu.memref_slice %arg5[%mul3A_2] : memref<4096xf32, #tpu.memory_space<hbm>> -> memref<128xf32, #tpu.memory_space<hbm>>
      tpu.enqueue_dma source(%dma_start3A_133 : memref<128xf32, #tpu.memory_space<hbm>>) target(%dma_start3A_132 : memref<128xf32, #tpu.memory_space<vmem>>) target_semaphore(%run_scoped3A : memref<!tpu.dma_semaphore, #tpu.memory_space<semaphore_mem>>)
      %dma_wait3A = arith.constant 0 : i32
      %dma_wait3A_134 = tpu.memref_slice %arg13[%dma_wait3A] : memref<144xf32, #tpu.memory_space<vmem>> -> memref<128xf32, #tpu.memory_space<vmem>>
      %dma_wait3A_135 = tpu.memref_slice %arg5[%mul3A_2] : memref<4096xf32, #tpu.memory_space<hbm>> -> memref<128xf32, #tpu.memory_space<hbm>>
      %dma_wait3A_136 = arith.constant 0 : i32
      %dma_wait3A_137 = tpu.memref_slice %arg13[%dma_wait3A_136] : memref<144xf32, #tpu.memory_space<vmem>> -> memref<128xf32, #tpu.memory_space<vmem>>
      %dma_wait3A_138 = tpu.memref_slice %arg5[%mul3A_2] : memref<4096xf32, #tpu.memory_space<hbm>> -> memref<128xf32, #tpu.memory_space<hbm>>
      tpu.wait_dma2 semaphore(%run_scoped3A : memref<!tpu.dma_semaphore, #tpu.memory_space<semaphore_mem>>) src(%dma_wait3A_138 : memref<128xf32, #tpu.memory_space<hbm>>) dst(%dma_wait3A_137 : memref<128xf32, #tpu.memory_space<vmem>>)
      tpu.yield
    }) : () -> ()
    "tpu.region"() ({
      %run_scoped3A = tpu.sem_alloc : memref<!tpu.dma_semaphore, #tpu.memory_space<semaphore_mem>>
      tpu.enqueue_dma source(%arg7 : memref<192xf32, #tpu.memory_space<hbm>>) target(%arg14 : memref<192xf32, #tpu.memory_space<vmem>>) target_semaphore(%run_scoped3A : memref<!tpu.dma_semaphore, #tpu.memory_space<semaphore_mem>>)
      tpu.wait_dma2 semaphore(%run_scoped3A : memref<!tpu.dma_semaphore, #tpu.memory_space<semaphore_mem>>) src(%arg7 : memref<192xf32, #tpu.memory_space<hbm>>) dst(%arg14 : memref<192xf32, #tpu.memory_space<vmem>>)
      tpu.yield
    }) : () -> ()
    "tpu.region"() ({
      %run_scoped3A = tpu.sem_alloc : memref<!tpu.dma_semaphore, #tpu.memory_space<semaphore_mem>>
      tpu.enqueue_dma source(%arg8 : memref<16xf32, #tpu.memory_space<hbm>>) target(%arg15 : memref<16xf32, #tpu.memory_space<vmem>>) target_semaphore(%run_scoped3A : memref<!tpu.dma_semaphore, #tpu.memory_space<semaphore_mem>>)
      tpu.wait_dma2 semaphore(%run_scoped3A : memref<!tpu.dma_semaphore, #tpu.memory_space<semaphore_mem>>) src(%arg8 : memref<16xf32, #tpu.memory_space<hbm>>) dst(%arg15 : memref<16xf32, #tpu.memory_space<vmem>>)
      tpu.yield
    }) : () -> ()
    %get3A = arith.constant 0 : index
    %get3A_3 = tpu.vector_load %arg14[%get3A] {strides = array<i32>} : memref<192xf32, #tpu.memory_space<vmem>>, vector<16xf32>,
    %get3A_4 = arith.constant 16 : index
    %get3A_5 = tpu.vector_load %arg14[%get3A_4] {strides = array<i32>} : memref<192xf32, #tpu.memory_space<vmem>>, vector<16xf32>,
    %get3A_6 = arith.constant 32 : index
    %get3A_7 = tpu.vector_load %arg14[%get3A_6] {strides = array<i32>} : memref<192xf32, #tpu.memory_space<vmem>>, vector<16xf32>,
    %get3A_8 = arith.constant 48 : index
    %get3A_9 = tpu.vector_load %arg14[%get3A_8] {strides = array<i32>} : memref<192xf32, #tpu.memory_space<vmem>>, vector<16xf32>,
    %get3A_10 = arith.constant 64 : index
    %get3A_11 = tpu.vector_load %arg14[%get3A_10] {strides = array<i32>} : memref<192xf32, #tpu.memory_space<vmem>>, vector<16xf32>,
    %get3A_12 = arith.constant 80 : index
    %get3A_13 = tpu.vector_load %arg14[%get3A_12] {strides = array<i32>} : memref<192xf32, #tpu.memory_space<vmem>>, vector<16xf32>,
    %get3A_14 = arith.constant 96 : index
    %get3A_15 = tpu.vector_load %arg14[%get3A_14] {strides = array<i32>} : memref<192xf32, #tpu.memory_space<vmem>>, vector<16xf32>,
    %get3A_16 = arith.constant 112 : index
    %get3A_17 = tpu.vector_load %arg14[%get3A_16] {strides = array<i32>} : memref<192xf32, #tpu.memory_space<vmem>>, vector<16xf32>,
    %get3A_18 = arith.constant 128 : index
    %get3A_19 = tpu.vector_load %arg14[%get3A_18] {strides = array<i32>} : memref<192xf32, #tpu.memory_space<vmem>>, vector<16xf32>,
    %get3A_20 = arith.constant 144 : index
    %get3A_21 = tpu.vector_load %arg14[%get3A_20] {strides = array<i32>} : memref<192xf32, #tpu.memory_space<vmem>>, vector<16xf32>,
    %get3A_22 = arith.constant 160 : index
    %get3A_23 = tpu.vector_load %arg14[%get3A_22] {strides = array<i32>} : memref<192xf32, #tpu.memory_space<vmem>>, vector<16xf32>,
    %get3A_24 = arith.constant 176 : index
    %get3A_25 = tpu.vector_load %arg14[%get3A_24] {strides = array<i32>} : memref<192xf32, #tpu.memory_space<vmem>>, vector<16xf32>,
    %get3A_26 = arith.constant 0 : index
    %get3A_27 = tpu.vector_load %arg15[%get3A_26] {strides = array<i32>} : memref<16xf32, #tpu.memory_space<vmem>>, vector<16xf32>,
    %iota3A = tpu.iota {dimensions = array<i32: 0>} : vector<16xi32>
    %broadcast_in_dim3A = arith.constant 0.000000e+00 : f32
    %broadcast_in_dim3A_28 = vector.broadcast %broadcast_in_dim3A : f32 to vector<16xf32>
    %dma_start3A = arith.constant 0 : i32
    %dma_start3A_29 = arith.constant 0 : i32
    %dma_start3A_30 = arith.constant 0 : i32
    %dma_start3A_31 = arith.constant 0 : i32
    %dma_start3A_32 = tpu.memref_slice %arg16[%dma_start3A_29, %dma_start3A_30, %dma_start3A_31] : memref<2x400x64xf32, #tpu.memory_space<vmem>> -> memref<1x128x64xf32, #tpu.memory_space<vmem>>
    %dma_start3A_33 = tpu.memref_squeeze %dma_start3A_32 : memref<1x128x64xf32, #tpu.memory_space<vmem>> -> memref<128x64xf32, #tpu.memory_space<vmem>>
    %dma_start3A_34 = arith.constant 0 : i32
    %dma_start3A_35 = tpu.memref_slice %arg10[%dma_start3A, %dma_start3A_34] : memref<128x200xi32, #tpu.memory_space<vmem>> -> memref<1x128xi32, #tpu.memory_space<vmem>>
    %dma_start3A_36 = tpu.memref_squeeze %dma_start3A_35 : memref<1x128xi32, #tpu.memory_space<vmem>> -> memref<128xi32, #tpu.memory_space<vmem>>
    %dma_start3A_37 = arith.constant 0 : i32
    %dma_start3A_38 = arith.constant 0 : i32
    %dma_start3A_39 = tpu.memref_slice %arg6[%dma_start3A_37, %dma_start3A_38] : memref<1000000x64xf32, #tpu.memory_space<hbm>> -> memref<1000000x64xf32, #tpu.memory_space<hbm>>
    tpu.enqueue_indirect_dma source(%dma_start3A_39 : memref<1000000x64xf32, #tpu.memory_space<hbm>>) target(%dma_start3A_33 : memref<128x64xf32, #tpu.memory_space<vmem>>) offsets(%dma_start3A_36 : memref<128xi32, #tpu.memory_space<vmem>>) semaphore(%arg18 : memref<!tpu.dma_semaphore, #tpu.memory_space<semaphore_mem>>)
    %dma_start3A_40 = arith.constant 0 : i32
    %dma_start3A_41 = arith.constant 0 : i32
    %dma_start3A_42 = arith.constant 128 : i32
    %dma_start3A_43 = arith.constant 0 : i32
    %dma_start3A_44 = tpu.memref_slice %arg16[%dma_start3A_41, %dma_start3A_42, %dma_start3A_43] : memref<2x400x64xf32, #tpu.memory_space<vmem>> -> memref<1x72x64xf32, #tpu.memory_space<vmem>>
    %dma_start3A_45 = tpu.memref_squeeze %dma_start3A_44 : memref<1x72x64xf32, #tpu.memory_space<vmem>> -> memref<72x64xf32, #tpu.memory_space<vmem>>
    %dma_start3A_46 = arith.constant 128 : i32
    %dma_start3A_47 = tpu.memref_slice %arg10[%dma_start3A_40, %dma_start3A_46] : memref<128x200xi32, #tpu.memory_space<vmem>> -> memref<1x72xi32, #tpu.memory_space<vmem>>
    %dma_start3A_48 = tpu.memref_squeeze %dma_start3A_47 : memref<1x72xi32, #tpu.memory_space<vmem>> -> memref<72xi32, #tpu.memory_space<vmem>>
    %dma_start3A_49 = arith.constant 0 : i32
    %dma_start3A_50 = arith.constant 0 : i32
    %dma_start3A_51 = tpu.memref_slice %arg6[%dma_start3A_49, %dma_start3A_50] : memref<1000000x64xf32, #tpu.memory_space<hbm>> -> memref<1000000x64xf32, #tpu.memory_space<hbm>>
    tpu.enqueue_indirect_dma source(%dma_start3A_51 : memref<1000000x64xf32, #tpu.memory_space<hbm>>) target(%dma_start3A_45 : memref<72x64xf32, #tpu.memory_space<vmem>>) offsets(%dma_start3A_48 : memref<72xi32, #tpu.memory_space<vmem>>) semaphore(%arg18 : memref<!tpu.dma_semaphore, #tpu.memory_space<semaphore_mem>>)
    %dma_start3A_52 = arith.constant 0 : i32
    %dma_start3A_53 = arith.constant 0 : i32
    %dma_start3A_54 = arith.constant 200 : i32
    %dma_start3A_55 = arith.constant 0 : i32
    %dma_start3A_56 = tpu.memref_slice %arg16[%dma_start3A_53, %dma_start3A_54, %dma_start3A_55] : memref<2x400x64xf32, #tpu.memory_space<vmem>> -> memref<1x128x64xf32, #tpu.memory_space<vmem>>
    %dma_start3A_57 = tpu.memref_squeeze %dma_start3A_56 : memref<1x128x64xf32, #tpu.memory_space<vmem>> -> memref<128x64xf32, #tpu.memory_space<vmem>>
    %dma_start3A_58 = arith.constant 0 : i32
    %dma_start3A_59 = tpu.memref_slice %arg11[%dma_start3A_52, %dma_start3A_58] : memref<128x200xi32, #tpu.memory_space<vmem>> -> memref<1x128xi32, #tpu.memory_space<vmem>>
    %dma_start3A_60 = tpu.memref_squeeze %dma_start3A_59 : memref<1x128xi32, #tpu.memory_space<vmem>> -> memref<128xi32, #tpu.memory_space<vmem>>
    %dma_start3A_61 = arith.constant 0 : i32
    %dma_start3A_62 = arith.constant 0 : i32
    %dma_start3A_63 = tpu.memref_slice %arg6[%dma_start3A_61, %dma_start3A_62] : memref<1000000x64xf32, #tpu.memory_space<hbm>> -> memref<1000000x64xf32, #tpu.memory_space<hbm>>
    tpu.enqueue_indirect_dma source(%dma_start3A_63 : memref<1000000x64xf32, #tpu.memory_space<hbm>>) target(%dma_start3A_57 : memref<128x64xf32, #tpu.memory_space<vmem>>) offsets(%dma_start3A_60 : memref<128xi32, #tpu.memory_space<vmem>>) semaphore(%arg20 : memref<!tpu.dma_semaphore, #tpu.memory_space<semaphore_mem>>)
    %dma_start3A_64 = arith.constant 0 : i32
    %dma_start3A_65 = arith.constant 0 : i32
    %dma_start3A_66 = arith.constant 328 : i32
    %dma_start3A_67 = arith.constant 0 : i32
    %dma_start3A_68 = tpu.memref_slice %arg16[%dma_start3A_65, %dma_start3A_66, %dma_start3A_67] : memref<2x400x64xf32, #tpu.memory_space<vmem>> -> memref<1x72x64xf32, #tpu.memory_space<vmem>>
    %dma_start3A_69 = tpu.memref_squeeze %dma_start3A_68 : memref<1x72x64xf32, #tpu.memory_space<vmem>> -> memref<72x64xf32, #tpu.memory_space<vmem>>
    %dma_start3A_70 = arith.constant 128 : i32
    %dma_start3A_71 = tpu.memref_slice %arg11[%dma_start3A_64, %dma_start3A_70] : memref<128x200xi32, #tpu.memory_space<vmem>> -> memref<1x72xi32, #tpu.memory_space<vmem>>
    %dma_start3A_72 = tpu.memref_squeeze %dma_start3A_71 : memref<1x72xi32, #tpu.memory_space<vmem>> -> memref<72xi32, #tpu.memory_space<vmem>>
    %dma_start3A_73 = arith.constant 0 : i32
    %dma_start3A_74 = arith.constant 0 : i32
    %dma_start3A_75 = tpu.memref_slice %arg6[%dma_start3A_73, %dma_start3A_74] : memref<1000000x64xf32, #tpu.memory_space<hbm>> -> memref<1000000x64xf32, #tpu.memory_space<hbm>>
    tpu.enqueue_indirect_dma source(%dma_start3A_75 : memref<1000000x64xf32, #tpu.memory_space<hbm>>) target(%dma_start3A_69 : memref<72x64xf32, #tpu.memory_space<vmem>>) offsets(%dma_start3A_72 : memref<72xi32, #tpu.memory_space<vmem>>) semaphore(%arg20 : memref<!tpu.dma_semaphore, #tpu.memory_space<semaphore_mem>>)
    %dma_start3A_76 = arith.constant 1 : i32
    %dma_start3A_77 = arith.constant 1 : i32
    %dma_start3A_78 = arith.constant 0 : i32
    %dma_start3A_79 = arith.constant 0 : i32
    %dma_start3A_80 = tpu.memref_slice %arg16[%dma_start3A_77, %dma_start3A_78, %dma_start3A_79] : memref<2x400x64xf32, #tpu.memory_space<vmem>> -> memref<1x128x64xf32, #tpu.memory_space<vmem>>
    %dma_start3A_81 = tpu.memref_squeeze %dma_start3A_80 : memref<1x128x64xf32, #tpu.memory_space<vmem>> -> memref<128x64xf32, #tpu.memory_space<vmem>>
    %dma_start3A_82 = arith.constant 0 : i32
    %dma_start3A_83 = tpu.memref_slice %arg10[%dma_start3A_76, %dma_start3A_82] : memref<128x200xi32, #tpu.memory_space<vmem>> -> memref<1x128xi32, #tpu.memory_space<vmem>>
    %dma_start3A_84 = tpu.memref_squeeze %dma_start3A_83 : memref<1x128xi32, #tpu.memory_space<vmem>> -> memref<128xi32, #tpu.memory_space<vmem>>
    %dma_start3A_85 = arith.constant 0 : i32
    %dma_start3A_86 = arith.constant 0 : i32
    %dma_start3A_87 = tpu.memref_slice %arg6[%dma_start3A_85, %dma_start3A_86] : memref<1000000x64xf32, #tpu.memory_space<hbm>> -> memref<1000000x64xf32, #tpu.memory_space<hbm>>
    tpu.enqueue_indirect_dma source(%dma_start3A_87 : memref<1000000x64xf32, #tpu.memory_space<hbm>>) target(%dma_start3A_81 : memref<128x64xf32, #tpu.memory_space<vmem>>) offsets(%dma_start3A_84 : memref<128xi32, #tpu.memory_space<vmem>>) semaphore(%arg19 : memref<!tpu.dma_semaphore, #tpu.memory_space<semaphore_mem>>)
    %dma_start3A_88 = arith.constant 1 : i32
    %dma_start3A_89 = arith.constant 1 : i32
    %dma_start3A_90 = arith.constant 128 : i32
    %dma_start3A_91 = arith.constant 0 : i32
    %dma_start3A_92 = tpu.memref_slice %arg16[%dma_start3A_89, %dma_start3A_90, %dma_start3A_91] : memref<2x400x64xf32, #tpu.memory_space<vmem>> -> memref<1x72x64xf32, #tpu.memory_space<vmem>>
    %dma_start3A_93 = tpu.memref_squeeze %dma_start3A_92 : memref<1x72x64xf32, #tpu.memory_space<vmem>> -> memref<72x64xf32, #tpu.memory_space<vmem>>
    %dma_start3A_94 = arith.constant 128 : i32
    %dma_start3A_95 = tpu.memref_slice %arg10[%dma_start3A_88, %dma_start3A_94] : memref<128x200xi32, #tpu.memory_space<vmem>> -> memref<1x72xi32, #tpu.memory_space<vmem>>
    %dma_start3A_96 = tpu.memref_squeeze %dma_start3A_95 : memref<1x72xi32, #tpu.memory_space<vmem>> -> memref<72xi32, #tpu.memory_space<vmem>>
    %dma_start3A_97 = arith.constant 0 : i32
    %dma_start3A_98 = arith.constant 0 : i32
    %dma_start3A_99 = tpu.memref_slice %arg6[%dma_start3A_97, %dma_start3A_98] : memref<1000000x64xf32, #tpu.memory_space<hbm>> -> memref<1000000x64xf32, #tpu.memory_space<hbm>>
    tpu.enqueue_indirect_dma source(%dma_start3A_99 : memref<1000000x64xf32, #tpu.memory_space<hbm>>) target(%dma_start3A_93 : memref<72x64xf32, #tpu.memory_space<vmem>>) offsets(%dma_start3A_96 : memref<72xi32, #tpu.memory_space<vmem>>) semaphore(%arg19 : memref<!tpu.dma_semaphore, #tpu.memory_space<semaphore_mem>>)
    %dma_start3A_100 = arith.constant 1 : i32
    %dma_start3A_101 = arith.constant 1 : i32
    %dma_start3A_102 = arith.constant 200 : i32
    %dma_start3A_103 = arith.constant 0 : i32
    %dma_start3A_104 = tpu.memref_slice %arg16[%dma_start3A_101, %dma_start3A_102, %dma_start3A_103] : memref<2x400x64xf32, #tpu.memory_space<vmem>> -> memref<1x128x64xf32, #tpu.memory_space<vmem>>
    %dma_start3A_105 = tpu.memref_squeeze %dma_start3A_104 : memref<1x128x64xf32, #tpu.memory_space<vmem>> -> memref<128x64xf32, #tpu.memory_space<vmem>>
    %dma_start3A_106 = arith.constant 0 : i32
    %dma_start3A_107 = tpu.memref_slice %arg11[%dma_start3A_100, %dma_start3A_106] : memref<128x200xi32, #tpu.memory_space<vmem>> -> memref<1x128xi32, #tpu.memory_space<vmem>>
    %dma_start3A_108 = tpu.memref_squeeze %dma_start3A_107 : memref<1x128xi32, #tpu.memory_space<vmem>> -> memref<128xi32, #tpu.memory_space<vmem>>
    %dma_start3A_109 = arith.constant 0 : i32
    %dma_start3A_110 = arith.constant 0 : i32
    %dma_start3A_111 = tpu.memref_slice %arg6[%dma_start3A_109, %dma_start3A_110] : memref<1000000x64xf32, #tpu.memory_space<hbm>> -> memref<1000000x64xf32, #tpu.memory_space<hbm>>
    tpu.enqueue_indirect_dma source(%dma_start3A_111 : memref<1000000x64xf32, #tpu.memory_space<hbm>>) target(%dma_start3A_105 : memref<128x64xf32, #tpu.memory_space<vmem>>) offsets(%dma_start3A_108 : memref<128xi32, #tpu.memory_space<vmem>>) semaphore(%arg21 : memref<!tpu.dma_semaphore, #tpu.memory_space<semaphore_mem>>)
    %dma_start3A_112 = arith.constant 1 : i32
    %dma_start3A_113 = arith.constant 1 : i32
    %dma_start3A_114 = arith.constant 328 : i32
    %dma_start3A_115 = arith.constant 0 : i32
    %dma_start3A_116 = tpu.memref_slice %arg16[%dma_start3A_113, %dma_start3A_114, %dma_start3A_115] : memref<2x400x64xf32, #tpu.memory_space<vmem>> -> memref<1x72x64xf32, #tpu.memory_space<vmem>>
    %dma_start3A_117 = tpu.memref_squeeze %dma_start3A_116 : memref<1x72x64xf32, #tpu.memory_space<vmem>> -> memref<72x64xf32, #tpu.memory_space<vmem>>
    %dma_start3A_118 = arith.constant 128 : i32
    %dma_start3A_119 = tpu.memref_slice %arg11[%dma_start3A_112, %dma_start3A_118] : memref<128x200xi32, #tpu.memory_space<vmem>> -> memref<1x72xi32, #tpu.memory_space<vmem>>
    %dma_start3A_120 = tpu.memref_squeeze %dma_start3A_119 : memref<1x72xi32, #tpu.memory_space<vmem>> -> memref<72xi32, #tpu.memory_space<vmem>>
    %dma_start3A_121 = arith.constant 0 : i32
    %dma_start3A_122 = arith.constant 0 : i32
    %dma_start3A_123 = tpu.memref_slice %arg6[%dma_start3A_121, %dma_start3A_122] : memref<1000000x64xf32, #tpu.memory_space<hbm>> -> memref<1000000x64xf32, #tpu.memory_space<hbm>>
    tpu.enqueue_indirect_dma source(%dma_start3A_123 : memref<1000000x64xf32, #tpu.memory_space<hbm>>) target(%dma_start3A_117 : memref<72x64xf32, #tpu.memory_space<vmem>>) offsets(%dma_start3A_120 : memref<72xi32, #tpu.memory_space<vmem>>) semaphore(%arg21 : memref<!tpu.dma_semaphore, #tpu.memory_space<semaphore_mem>>)
    %scan3A = arith.constant 0 : i32
    %scan3A_124 = arith.constant 64 : i32
    %scan3A_125 = arith.addi %scan3A, %scan3A_124 : i32
    %scan3A_126 = arith.constant 1 : i32
    scf.for %scan3A_128 = %scan3A to %scan3A_125 step %scan3A_126  : i32 {
      %mul3A_129 = arith.constant 2 : i32
      %mul3A_130 = arith.muli %scan3A_128, %mul3A_129 : i32
      %add3A_131 = arith.constant 0 : i32
      %add3A_132 = arith.addi %add3A_131, %mul3A_130 : i32
      %add3A_133 = arith.constant 0 : i32
      %add3A_134 = arith.addi %add3A_132, %add3A_133 : i32
      %dma_wait3A = arith.constant 0 : i32
      %dma_wait3A_135 = arith.constant 0 : i32
      %dma_wait3A_136 = arith.constant 0 : i32
      %dma_wait3A_137 = tpu.memref_slice %arg16[%dma_wait3A, %dma_wait3A_135, %dma_wait3A_136] : memref<2x400x64xf32, #tpu.memory_space<vmem>> -> memref<1x200x64xf32, #tpu.memory_space<vmem>>
      %dma_wait3A_138 = tpu.memref_squeeze %dma_wait3A_137 : memref<1x200x64xf32, #tpu.memory_space<vmem>> -> memref<200x64xf32, #tpu.memory_space<vmem>>
      %dma_wait3A_139 = arith.constant 0 : i32
      %dma_wait3A_140 = arith.constant 0 : i32
      %dma_wait3A_141 = tpu.memref_slice %arg6[%dma_wait3A_139, %dma_wait3A_140] : memref<1000000x64xf32, #tpu.memory_space<hbm>> -> memref<200x64xf32, #tpu.memory_space<hbm>>
      %dma_wait3A_142 = arith.constant 0 : i32
      %dma_wait3A_143 = arith.constant 0 : i32
      %dma_wait3A_144 = tpu.memref_slice %arg16[%dma_wait3A, %dma_wait3A_142, %dma_wait3A_143] : memref<2x400x64xf32, #tpu.memory_space<vmem>> -> memref<1x200x64xf32, #tpu.memory_space<vmem>>
      %dma_wait3A_145 = tpu.memref_squeeze %dma_wait3A_144 : memref<1x200x64xf32, #tpu.memory_space<vmem>> -> memref<200x64xf32, #tpu.memory_space<vmem>>
      %dma_wait3A_146 = arith.constant 0 : i32
      %dma_wait3A_147 = arith.constant 0 : i32
      %dma_wait3A_148 = tpu.memref_slice %arg6[%dma_wait3A_146, %dma_wait3A_147] : memref<1000000x64xf32, #tpu.memory_space<hbm>> -> memref<200x64xf32, #tpu.memory_space<hbm>>
      tpu.wait_dma2 semaphore(%arg18 : memref<!tpu.dma_semaphore, #tpu.memory_space<semaphore_mem>>) src(%dma_wait3A_148 : memref<200x64xf32, #tpu.memory_space<hbm>>) dst(%dma_wait3A_145 : memref<200x64xf32, #tpu.memory_space<vmem>>)
      %scan3A_149 = arith.constant 0 : i32
      %scan3A_150 = arith.constant 25 : i32
      %scan3A_151 = arith.addi %scan3A_149, %scan3A_150 : i32
      %scan3A_152 = arith.constant 1 : i32
      %scan3A_153:8 = scf.for %scan3A_418 = %scan3A_149 to %scan3A_151 step %scan3A_152 iter_args(%scan3A_419 = %broadcast_in_dim3A_28, %scan3A_420 = %broadcast_in_dim3A_28, %scan3A_421 = %broadcast_in_dim3A_28, %scan3A_422 = %broadcast_in_dim3A_28, %scan3A_423 = %broadcast_in_dim3A_28, %scan3A_424 = %broadcast_in_dim3A_28, %scan3A_425 = %broadcast_in_dim3A_28, %scan3A_426 = %broadcast_in_dim3A_28) -> (vector<16xf32>, vector<16xf32>, vector<16xf32>, vector<16xf32>, vector<16xf32>, vector<16xf32>, vector<16xf32>, vector<16xf32>)  : i32 {
        %mul3A_427 = arith.constant 8 : i32
        %mul3A_428 = arith.muli %scan3A_418, %mul3A_427 : i32
        %add3A_429 = arith.constant 0 : i32
        %add3A_430 = arith.addi %add3A_429, %mul3A_428 : i32
        %add3A_431 = arith.constant 0 : i32
        %add3A_432 = arith.addi %add3A_430, %add3A_431 : i32
        %get3A_433 = arith.constant 0 : i32
        %get3A_434 = arith.index_cast %get3A_433 : i32 to index
        %get3A_435 = arith.index_cast %add3A_432 : i32 to index
        %get3A_436 = arith.constant 0 : index
        %get3A_437 = tpu.vector_load %arg16[%get3A_434, %get3A_435, %get3A_436] {strides = array<i32>} : memref<2x400x64xf32, #tpu.memory_space<vmem>>, vector<16xf32>,
        %add3A_438 = arith.addf %scan3A_419, %get3A_437 : vector<16xf32>
        %get3A_439 = arith.constant 0 : i32
        %get3A_440 = arith.index_cast %get3A_439 : i32 to index
        %get3A_441 = arith.index_cast %add3A_432 : i32 to index
        %get3A_442 = arith.constant 16 : index
        %get3A_443 = tpu.vector_load %arg16[%get3A_440, %get3A_441, %get3A_442] {strides = array<i32>} : memref<2x400x64xf32, #tpu.memory_space<vmem>>, vector<16xf32>,
        %add3A_444 = arith.addf %scan3A_420, %get3A_443 : vector<16xf32>
        %get3A_445 = arith.constant 0 : i32
        %get3A_446 = arith.index_cast %get3A_445 : i32 to index
        %get3A_447 = arith.index_cast %add3A_432 : i32 to index
        %get3A_448 = arith.constant 32 : index
        %get3A_449 = tpu.vector_load %arg16[%get3A_446, %get3A_447, %get3A_448] {strides = array<i32>} : memref<2x400x64xf32, #tpu.memory_space<vmem>>, vector<16xf32>,
        %add3A_450 = arith.addf %scan3A_421, %get3A_449 : vector<16xf32>
        %get3A_451 = arith.constant 0 : i32
        %get3A_452 = arith.index_cast %get3A_451 : i32 to index
        %get3A_453 = arith.index_cast %add3A_432 : i32 to index
        %get3A_454 = arith.constant 48 : index
        %get3A_455 = tpu.vector_load %arg16[%get3A_452, %get3A_453, %get3A_454] {strides = array<i32>} : memref<2x400x64xf32, #tpu.memory_space<vmem>>, vector<16xf32>,
        %add3A_456 = arith.addf %scan3A_422, %get3A_455 : vector<16xf32>
        %mul3A_457 = arith.constant 8 : i32
        %mul3A_458 = arith.muli %scan3A_418, %mul3A_457 : i32
        %add3A_459 = arith.constant 0 : i32
        %add3A_460 = arith.addi %add3A_459, %mul3A_458 : i32
        %add3A_461 = arith.constant 1 : i32
        %add3A_462 = arith.addi %add3A_460, %add3A_461 : i32
        %get3A_463 = arith.constant 0 : i32
        %get3A_464 = arith.index_cast %get3A_463 : i32 to index
        %get3A_465 = arith.index_cast %add3A_462 : i32 to index
        %get3A_466 = arith.constant 0 : index
        %get3A_467 = tpu.vector_load %arg16[%get3A_464, %get3A_465, %get3A_466] {strides = array<i32>} : memref<2x400x64xf32, #tpu.memory_space<vmem>>, vector<16xf32>,
        %add3A_468 = arith.addf %scan3A_423, %get3A_467 : vector<16xf32>
        %get3A_469 = arith.constant 0 : i32
        %get3A_470 = arith.index_cast %get3A_469 : i32 to index
        %get3A_471 = arith.index_cast %add3A_462 : i32 to index
        %get3A_472 = arith.constant 16 : index
        %get3A_473 = tpu.vector_load %arg16[%get3A_470, %get3A_471, %get3A_472] {strides = array<i32>} : memref<2x400x64xf32, #tpu.memory_space<vmem>>, vector<16xf32>,
        %add3A_474 = arith.addf %scan3A_424, %get3A_473 : vector<16xf32>
        %get3A_475 = arith.constant 0 : i32
        %get3A_476 = arith.index_cast %get3A_475 : i32 to index
        %get3A_477 = arith.index_cast %add3A_462 : i32 to index
        %get3A_478 = arith.constant 32 : index
        %get3A_479 = tpu.vector_load %arg16[%get3A_476, %get3A_477, %get3A_478] {strides = array<i32>} : memref<2x400x64xf32, #tpu.memory_space<vmem>>, vector<16xf32>,
        %add3A_480 = arith.addf %scan3A_425, %get3A_479 : vector<16xf32>
        %get3A_481 = arith.constant 0 : i32
        %get3A_482 = arith.index_cast %get3A_481 : i32 to index
        %get3A_483 = arith.index_cast %add3A_462 : i32 to index
        %get3A_484 = arith.constant 48 : index
        %get3A_485 = tpu.vector_load %arg16[%get3A_482, %get3A_483, %get3A_484] {strides = array<i32>} : memref<2x400x64xf32, #tpu.memory_space<vmem>>, vector<16xf32>,
        %add3A_486 = arith.addf %scan3A_426, %get3A_485 : vector<16xf32>
        %mul3A_487 = arith.constant 8 : i32
        %mul3A_488 = arith.muli %scan3A_418, %mul3A_487 : i32
        %add3A_489 = arith.constant 0 : i32
        %add3A_490 = arith.addi %add3A_489, %mul3A_488 : i32
        %add3A_491 = arith.constant 2 : i32
        %add3A_492 = arith.addi %add3A_490, %add3A_491 : i32
        %get3A_493 = arith.constant 0 : i32
        %get3A_494 = arith.index_cast %get3A_493 : i32 to index
        %get3A_495 = arith.index_cast %add3A_492 : i32 to index
        %get3A_496 = arith.constant 0 : index
        %get3A_497 = tpu.vector_load %arg16[%get3A_494, %get3A_495, %get3A_496] {strides = array<i32>} : memref<2x400x64xf32, #tpu.memory_space<vmem>>, vector<16xf32>,
        %add3A_498 = arith.addf %add3A_438, %get3A_497 : vector<16xf32>
        %get3A_499 = arith.constant 0 : i32
        %get3A_500 = arith.index_cast %get3A_499 : i32 to index
        %get3A_501 = arith.index_cast %add3A_492 : i32 to index
        %get3A_502 = arith.constant 16 : index
        %get3A_503 = tpu.vector_load %arg16[%get3A_500, %get3A_501, %get3A_502] {strides = array<i32>} : memref<2x400x64xf32, #tpu.memory_space<vmem>>, vector<16xf32>,
        %add3A_504 = arith.addf %add3A_444, %get3A_503 : vector<16xf32>
        %get3A_505 = arith.constant 0 : i32
        %get3A_506 = arith.index_cast %get3A_505 : i32 to index
        %get3A_507 = arith.index_cast %add3A_492 : i32 to index
        %get3A_508 = arith.constant 32 : index
        %get3A_509 = tpu.vector_load %arg16[%get3A_506, %get3A_507, %get3A_508] {strides = array<i32>} : memref<2x400x64xf32, #tpu.memory_space<vmem>>, vector<16xf32>,
        %add3A_510 = arith.addf %add3A_450, %get3A_509 : vector<16xf32>
        %get3A_511 = arith.constant 0 : i32
        %get3A_512 = arith.index_cast %get3A_511 : i32 to index
        %get3A_513 = arith.index_cast %add3A_492 : i32 to index
        %get3A_514 = arith.constant 48 : index
        %get3A_515 = tpu.vector_load %arg16[%get3A_512, %get3A_513, %get3A_514] {strides = array<i32>} : memref<2x400x64xf32, #tpu.memory_space<vmem>>, vector<16xf32>,
        %add3A_516 = arith.addf %add3A_456, %get3A_515 : vector<16xf32>
        %mul3A_517 = arith.constant 8 : i32
        %mul3A_518 = arith.muli %scan3A_418, %mul3A_517 : i32
        %add3A_519 = arith.constant 0 : i32
        %add3A_520 = arith.addi %add3A_519, %mul3A_518 : i32
        %add3A_521 = arith.constant 3 : i32
        %add3A_522 = arith.addi %add3A_520, %add3A_521 : i32
        %get3A_523 = arith.constant 0 : i32
        %get3A_524 = arith.index_cast %get3A_523 : i32 to index
        %get3A_525 = arith.index_cast %add3A_522 : i32 to index
        %get3A_526 = arith.constant 0 : index
        %get3A_527 = tpu.vector_load %arg16[%get3A_524, %get3A_525, %get3A_526] {strides = array<i32>} : memref<2x400x64xf32, #tpu.memory_space<vmem>>, vector<16xf32>,
        %add3A_528 = arith.addf %add3A_468, %get3A_527 : vector<16xf32>
        %get3A_529 = arith.constant 0 : i32
        %get3A_530 = arith.index_cast %get3A_529 : i32 to index
        %get3A_531 = arith.index_cast %add3A_522 : i32 to index
        %get3A_532 = arith.constant 16 : index
        %get3A_533 = tpu.vector_load %arg16[%get3A_530, %get3A_531, %get3A_532] {strides = array<i32>} : memref<2x400x64xf32, #tpu.memory_space<vmem>>, vector<16xf32>,
        %add3A_534 = arith.addf %add3A_474, %get3A_533 : vector<16xf32>
        %get3A_535 = arith.constant 0 : i32
        %get3A_536 = arith.index_cast %get3A_535 : i32 to index
        %get3A_537 = arith.index_cast %add3A_522 : i32 to index
        %get3A_538 = arith.constant 32 : index
        %get3A_539 = tpu.vector_load %arg16[%get3A_536, %get3A_537, %get3A_538] {strides = array<i32>} : memref<2x400x64xf32, #tpu.memory_space<vmem>>, vector<16xf32>,
        %add3A_540 = arith.addf %add3A_480, %get3A_539 : vector<16xf32>
        %get3A_541 = arith.constant 0 : i32
        %get3A_542 = arith.index_cast %get3A_541 : i32 to index
        %get3A_543 = arith.index_cast %add3A_522 : i32 to index
        %get3A_544 = arith.constant 48 : index
        %get3A_545 = tpu.vector_load %arg16[%get3A_542, %get3A_543, %get3A_544] {strides = array<i32>} : memref<2x400x64xf32, #tpu.memory_space<vmem>>, vector<16xf32>,
        %add3A_546 = arith.addf %add3A_486, %get3A_545 : vector<16xf32>
        %mul3A_547 = arith.constant 8 : i32
        %mul3A_548 = arith.muli %scan3A_418, %mul3A_547 : i32
        %add3A_549 = arith.constant 0 : i32
        %add3A_550 = arith.addi %add3A_549, %mul3A_548 : i32
        %add3A_551 = arith.constant 4 : i32
        %add3A_552 = arith.addi %add3A_550, %add3A_551 : i32
        %get3A_553 = arith.constant 0 : i32
        %get3A_554 = arith.index_cast %get3A_553 : i32 to index
        %get3A_555 = arith.index_cast %add3A_552 : i32 to index
        %get3A_556 = arith.constant 0 : index
        %get3A_557 = tpu.vector_load %arg16[%get3A_554, %get3A_555, %get3A_556] {strides = array<i32>} : memref<2x400x64xf32, #tpu.memory_space<vmem>>, vector<16xf32>,
        %add3A_558 = arith.addf %add3A_498, %get3A_557 : vector<16xf32>
        %get3A_559 = arith.constant 0 : i32
        %get3A_560 = arith.index_cast %get3A_559 : i32 to index
        %get3A_561 = arith.index_cast %add3A_552 : i32 to index
        %get3A_562 = arith.constant 16 : index
        %get3A_563 = tpu.vector_load %arg16[%get3A_560, %get3A_561, %get3A_562] {strides = array<i32>} : memref<2x400x64xf32, #tpu.memory_space<vmem>>, vector<16xf32>,
        %add3A_564 = arith.addf %add3A_504, %get3A_563 : vector<16xf32>
        %get3A_565 = arith.constant 0 : i32
        %get3A_566 = arith.index_cast %get3A_565 : i32 to index
        %get3A_567 = arith.index_cast %add3A_552 : i32 to index
        %get3A_568 = arith.constant 32 : index
        %get3A_569 = tpu.vector_load %arg16[%get3A_566, %get3A_567, %get3A_568] {strides = array<i32>} : memref<2x400x64xf32, #tpu.memory_space<vmem>>, vector<16xf32>,
        %add3A_570 = arith.addf %add3A_510, %get3A_569 : vector<16xf32>
        %get3A_571 = arith.constant 0 : i32
        %get3A_572 = arith.index_cast %get3A_571 : i32 to index
        %get3A_573 = arith.index_cast %add3A_552 : i32 to index
        %get3A_574 = arith.constant 48 : index
        %get3A_575 = tpu.vector_load %arg16[%get3A_572, %get3A_573, %get3A_574] {strides = array<i32>} : memref<2x400x64xf32, #tpu.memory_space<vmem>>, vector<16xf32>,
        %add3A_576 = arith.addf %add3A_516, %get3A_575 : vector<16xf32>
        %mul3A_577 = arith.constant 8 : i32
        %mul3A_578 = arith.muli %scan3A_418, %mul3A_577 : i32
        %add3A_579 = arith.constant 0 : i32
        %add3A_580 = arith.addi %add3A_579, %mul3A_578 : i32
        %add3A_581 = arith.constant 5 : i32
        %add3A_582 = arith.addi %add3A_580, %add3A_581 : i32
        %get3A_583 = arith.constant 0 : i32
        %get3A_584 = arith.index_cast %get3A_583 : i32 to index
        %get3A_585 = arith.index_cast %add3A_582 : i32 to index
        %get3A_586 = arith.constant 0 : index
        %get3A_587 = tpu.vector_load %arg16[%get3A_584, %get3A_585, %get3A_586] {strides = array<i32>} : memref<2x400x64xf32, #tpu.memory_space<vmem>>, vector<16xf32>,
        %add3A_588 = arith.addf %add3A_528, %get3A_587 : vector<16xf32>
        %get3A_589 = arith.constant 0 : i32
        %get3A_590 = arith.index_cast %get3A_589 : i32 to index
        %get3A_591 = arith.index_cast %add3A_582 : i32 to index
        %get3A_592 = arith.constant 16 : index
        %get3A_593 = tpu.vector_load %arg16[%get3A_590, %get3A_591, %get3A_592] {strides = array<i32>} : memref<2x400x64xf32, #tpu.memory_space<vmem>>, vector<16xf32>,
        %add3A_594 = arith.addf %add3A_534, %get3A_593 : vector<16xf32>
        %get3A_595 = arith.constant 0 : i32
        %get3A_596 = arith.index_cast %get3A_595 : i32 to index
        %get3A_597 = arith.index_cast %add3A_582 : i32 to index
        %get3A_598 = arith.constant 32 : index
        %get3A_599 = tpu.vector_load %arg16[%get3A_596, %get3A_597, %get3A_598] {strides = array<i32>} : memref<2x400x64xf32, #tpu.memory_space<vmem>>, vector<16xf32>,
        %add3A_600 = arith.addf %add3A_540, %get3A_599 : vector<16xf32>
        %get3A_601 = arith.constant 0 : i32
        %get3A_602 = arith.index_cast %get3A_601 : i32 to index
        %get3A_603 = arith.index_cast %add3A_582 : i32 to index
        %get3A_604 = arith.constant 48 : index
        %get3A_605 = tpu.vector_load %arg16[%get3A_602, %get3A_603, %get3A_604] {strides = array<i32>} : memref<2x400x64xf32, #tpu.memory_space<vmem>>, vector<16xf32>,
        %add3A_606 = arith.addf %add3A_546, %get3A_605 : vector<16xf32>
        %mul3A_607 = arith.constant 8 : i32
        %mul3A_608 = arith.muli %scan3A_418, %mul3A_607 : i32
        %add3A_609 = arith.constant 0 : i32
        %add3A_610 = arith.addi %add3A_609, %mul3A_608 : i32
        %add3A_611 = arith.constant 6 : i32
        %add3A_612 = arith.addi %add3A_610, %add3A_611 : i32
        %get3A_613 = arith.constant 0 : i32
        %get3A_614 = arith.index_cast %get3A_613 : i32 to index
        %get3A_615 = arith.index_cast %add3A_612 : i32 to index
        %get3A_616 = arith.constant 0 : index
        %get3A_617 = tpu.vector_load %arg16[%get3A_614, %get3A_615, %get3A_616] {strides = array<i32>} : memref<2x400x64xf32, #tpu.memory_space<vmem>>, vector<16xf32>,
        %add3A_618 = arith.addf %add3A_558, %get3A_617 : vector<16xf32>
        %get3A_619 = arith.constant 0 : i32
        %get3A_620 = arith.index_cast %get3A_619 : i32 to index
        %get3A_621 = arith.index_cast %add3A_612 : i32 to index
        %get3A_622 = arith.constant 16 : index
        %get3A_623 = tpu.vector_load %arg16[%get3A_620, %get3A_621, %get3A_622] {strides = array<i32>} : memref<2x400x64xf32, #tpu.memory_space<vmem>>, vector<16xf32>,
        %add3A_624 = arith.addf %add3A_564, %get3A_623 : vector<16xf32>
        %get3A_625 = arith.constant 0 : i32
        %get3A_626 = arith.index_cast %get3A_625 : i32 to index
        %get3A_627 = arith.index_cast %add3A_612 : i32 to index
        %get3A_628 = arith.constant 32 : index
        %get3A_629 = tpu.vector_load %arg16[%get3A_626, %get3A_627, %get3A_628] {strides = array<i32>} : memref<2x400x64xf32, #tpu.memory_space<vmem>>, vector<16xf32>,
        %add3A_630 = arith.addf %add3A_570, %get3A_629 : vector<16xf32>
        %get3A_631 = arith.constant 0 : i32
        %get3A_632 = arith.index_cast %get3A_631 : i32 to index
        %get3A_633 = arith.index_cast %add3A_612 : i32 to index
        %get3A_634 = arith.constant 48 : index
        %get3A_635 = tpu.vector_load %arg16[%get3A_632, %get3A_633, %get3A_634] {strides = array<i32>} : memref<2x400x64xf32, #tpu.memory_space<vmem>>, vector<16xf32>,
        %add3A_636 = arith.addf %add3A_576, %get3A_635 : vector<16xf32>
        %mul3A_637 = arith.constant 8 : i32
        %mul3A_638 = arith.muli %scan3A_418, %mul3A_637 : i32
        %add3A_639 = arith.constant 0 : i32
        %add3A_640 = arith.addi %add3A_639, %mul3A_638 : i32
        %add3A_641 = arith.constant 7 : i32
        %add3A_642 = arith.addi %add3A_640, %add3A_641 : i32
        %get3A_643 = arith.constant 0 : i32
        %get3A_644 = arith.index_cast %get3A_643 : i32 to index
        %get3A_645 = arith.index_cast %add3A_642 : i32 to index
        %get3A_646 = arith.constant 0 : index
        %get3A_647 = tpu.vector_load %arg16[%get3A_644, %get3A_645, %get3A_646] {strides = array<i32>} : memref<2x400x64xf32, #tpu.memory_space<vmem>>, vector<16xf32>,
        %add3A_648 = arith.addf %add3A_588, %get3A_647 : vector<16xf32>
        %get3A_649 = arith.constant 0 : i32
        %get3A_650 = arith.index_cast %get3A_649 : i32 to index
        %get3A_651 = arith.index_cast %add3A_642 : i32 to index
        %get3A_652 = arith.constant 16 : index
        %get3A_653 = tpu.vector_load %arg16[%get3A_650, %get3A_651, %get3A_652] {strides = array<i32>} : memref<2x400x64xf32, #tpu.memory_space<vmem>>, vector<16xf32>,
        %add3A_654 = arith.addf %add3A_594, %get3A_653 : vector<16xf32>
        %get3A_655 = arith.constant 0 : i32
        %get3A_656 = arith.index_cast %get3A_655 : i32 to index
        %get3A_657 = arith.index_cast %add3A_642 : i32 to index
        %get3A_658 = arith.constant 32 : index
        %get3A_659 = tpu.vector_load %arg16[%get3A_656, %get3A_657, %get3A_658] {strides = array<i32>} : memref<2x400x64xf32, #tpu.memory_space<vmem>>, vector<16xf32>,
        %add3A_660 = arith.addf %add3A_600, %get3A_659 : vector<16xf32>
        %get3A_661 = arith.constant 0 : i32
        %get3A_662 = arith.index_cast %get3A_661 : i32 to index
        %get3A_663 = arith.index_cast %add3A_642 : i32 to index
        %get3A_664 = arith.constant 48 : index
        %get3A_665 = tpu.vector_load %arg16[%get3A_662, %get3A_663, %get3A_664] {strides = array<i32>} : memref<2x400x64xf32, #tpu.memory_space<vmem>>, vector<16xf32>,
        %add3A_666 = arith.addf %add3A_606, %get3A_665 : vector<16xf32>
        scf.yield %add3A_618, %add3A_624, %add3A_630, %add3A_636, %add3A_648, %add3A_654, %add3A_660, %add3A_666 : vector<16xf32>, vector<16xf32>, vector<16xf32>, vector<16xf32>, vector<16xf32>, vector<16xf32>, vector<16xf32>, vector<16xf32>
      }
      %scan3A_154 = arith.constant 25 : i32
      %add3A_155 = arith.addf %scan3A_153#0, %scan3A_153#4 : vector<16xf32>
      %add3A_156 = arith.addf %scan3A_153#1, %scan3A_153#5 : vector<16xf32>
      %add3A_157 = arith.addf %scan3A_153#2, %scan3A_153#6 : vector<16xf32>
      %add3A_158 = arith.addf %scan3A_153#3, %scan3A_153#7 : vector<16xf32>
      %add3A_159 = arith.constant 2 : i32
      %add3A_160 = arith.addi %add3A_134, %add3A_159 : i32
      %lt3A = arith.constant 128 : i32
      %lt3A_161 = arith.cmpi slt, %add3A_160, %lt3A : i32
      %convert_element_type3A = arith.extui %lt3A_161 : i1 to i32
      %cond3A = arith.constant 0 : i32
      %cond3A_162 = arith.cmpi ne, %convert_element_type3A, %cond3A : i32
      scf.if %cond3A_162 {
        %add3A_418 = arith.constant 2 : i32
        %add3A_419 = arith.addi %add3A_134, %add3A_418 : i32
        %dma_start3A_420 = arith.constant 0 : i32
        %dma_start3A_421 = arith.constant 0 : i32
        %dma_start3A_422 = arith.constant 0 : i32
        %dma_start3A_423 = tpu.memref_slice %arg16[%dma_start3A_420, %dma_start3A_421, %dma_start3A_422] : memref<2x400x64xf32, #tpu.memory_space<vmem>> -> memref<1x128x64xf32, #tpu.memory_space<vmem>>
        %dma_start3A_424 = tpu.memref_squeeze %dma_start3A_423 : memref<1x128x64xf32, #tpu.memory_space<vmem>> -> memref<128x64xf32, #tpu.memory_space<vmem>>
        %dma_start3A_425 = arith.constant 0 : i32
        %dma_start3A_426 = tpu.memref_slice %arg10[%add3A_419, %dma_start3A_425] : memref<128x200xi32, #tpu.memory_space<vmem>> -> memref<1x128xi32, #tpu.memory_space<vmem>>
        %dma_start3A_427 = tpu.memref_squeeze %dma_start3A_426 : memref<1x128xi32, #tpu.memory_space<vmem>> -> memref<128xi32, #tpu.memory_space<vmem>>
        %dma_start3A_428 = arith.constant 0 : i32
        %dma_start3A_429 = arith.constant 0 : i32
        %dma_start3A_430 = tpu.memref_slice %arg6[%dma_start3A_428, %dma_start3A_429] : memref<1000000x64xf32, #tpu.memory_space<hbm>> -> memref<1000000x64xf32, #tpu.memory_space<hbm>>
        tpu.enqueue_indirect_dma source(%dma_start3A_430 : memref<1000000x64xf32, #tpu.memory_space<hbm>>) target(%dma_start3A_424 : memref<128x64xf32, #tpu.memory_space<vmem>>) offsets(%dma_start3A_427 : memref<128xi32, #tpu.memory_space<vmem>>) semaphore(%arg18 : memref<!tpu.dma_semaphore, #tpu.memory_space<semaphore_mem>>)
        %dma_start3A_431 = arith.constant 0 : i32
        %dma_start3A_432 = arith.constant 128 : i32
        %dma_start3A_433 = arith.constant 0 : i32
        %dma_start3A_434 = tpu.memref_slice %arg16[%dma_start3A_431, %dma_start3A_432, %dma_start3A_433] : memref<2x400x64xf32, #tpu.memory_space<vmem>> -> memref<1x72x64xf32, #tpu.memory_space<vmem>>
        %dma_start3A_435 = tpu.memref_squeeze %dma_start3A_434 : memref<1x72x64xf32, #tpu.memory_space<vmem>> -> memref<72x64xf32, #tpu.memory_space<vmem>>
        %dma_start3A_436 = arith.constant 128 : i32
        %dma_start3A_437 = tpu.memref_slice %arg10[%add3A_419, %dma_start3A_436] : memref<128x200xi32, #tpu.memory_space<vmem>> -> memref<1x72xi32, #tpu.memory_space<vmem>>
        %dma_start3A_438 = tpu.memref_squeeze %dma_start3A_437 : memref<1x72xi32, #tpu.memory_space<vmem>> -> memref<72xi32, #tpu.memory_space<vmem>>
        %dma_start3A_439 = arith.constant 0 : i32
        %dma_start3A_440 = arith.constant 0 : i32
        %dma_start3A_441 = tpu.memref_slice %arg6[%dma_start3A_439, %dma_start3A_440] : memref<1000000x64xf32, #tpu.memory_space<hbm>> -> memref<1000000x64xf32, #tpu.memory_space<hbm>>
        tpu.enqueue_indirect_dma source(%dma_start3A_441 : memref<1000000x64xf32, #tpu.memory_space<hbm>>) target(%dma_start3A_435 : memref<72x64xf32, #tpu.memory_space<vmem>>) offsets(%dma_start3A_438 : memref<72xi32, #tpu.memory_space<vmem>>) semaphore(%arg18 : memref<!tpu.dma_semaphore, #tpu.memory_space<semaphore_mem>>)
      } else {
      }
      %dma_wait3A_163 = arith.constant 0 : i32
      %dma_wait3A_164 = arith.constant 200 : i32
      %dma_wait3A_165 = arith.constant 0 : i32
      %dma_wait3A_166 = tpu.memref_slice %arg16[%dma_wait3A_163, %dma_wait3A_164, %dma_wait3A_165] : memref<2x400x64xf32, #tpu.memory_space<vmem>> -> memref<1x200x64xf32, #tpu.memory_space<vmem>>
      %dma_wait3A_167 = tpu.memref_squeeze %dma_wait3A_166 : memref<1x200x64xf32, #tpu.memory_space<vmem>> -> memref<200x64xf32, #tpu.memory_space<vmem>>
      %dma_wait3A_168 = arith.constant 0 : i32
      %dma_wait3A_169 = arith.constant 0 : i32
      %dma_wait3A_170 = tpu.memref_slice %arg6[%dma_wait3A_168, %dma_wait3A_169] : memref<1000000x64xf32, #tpu.memory_space<hbm>> -> memref<200x64xf32, #tpu.memory_space<hbm>>
      %dma_wait3A_171 = arith.constant 200 : i32
      %dma_wait3A_172 = arith.constant 0 : i32
      %dma_wait3A_173 = tpu.memref_slice %arg16[%dma_wait3A_163, %dma_wait3A_171, %dma_wait3A_172] : memref<2x400x64xf32, #tpu.memory_space<vmem>> -> memref<1x200x64xf32, #tpu.memory_space<vmem>>
      %dma_wait3A_174 = tpu.memref_squeeze %dma_wait3A_173 : memref<1x200x64xf32, #tpu.memory_space<vmem>> -> memref<200x64xf32, #tpu.memory_space<vmem>>
      %dma_wait3A_175 = arith.constant 0 : i32
      %dma_wait3A_176 = arith.constant 0 : i32
      %dma_wait3A_177 = tpu.memref_slice %arg6[%dma_wait3A_175, %dma_wait3A_176] : memref<1000000x64xf32, #tpu.memory_space<hbm>> -> memref<200x64xf32, #tpu.memory_space<hbm>>
      tpu.wait_dma2 semaphore(%arg20 : memref<!tpu.dma_semaphore, #tpu.memory_space<semaphore_mem>>) src(%dma_wait3A_177 : memref<200x64xf32, #tpu.memory_space<hbm>>) dst(%dma_wait3A_174 : memref<200x64xf32, #tpu.memory_space<vmem>>)
      %scan3A_178 = arith.constant 0 : i32
      %scan3A_179 = arith.constant 25 : i32
      %scan3A_180 = arith.addi %scan3A_178, %scan3A_179 : i32
      %scan3A_181 = arith.constant 1 : i32
      %scan3A_182:8 = scf.for %scan3A_418 = %scan3A_178 to %scan3A_180 step %scan3A_181 iter_args(%scan3A_419 = %broadcast_in_dim3A_28, %scan3A_420 = %broadcast_in_dim3A_28, %scan3A_421 = %broadcast_in_dim3A_28, %scan3A_422 = %broadcast_in_dim3A_28, %scan3A_423 = %broadcast_in_dim3A_28, %scan3A_424 = %broadcast_in_dim3A_28, %scan3A_425 = %broadcast_in_dim3A_28, %scan3A_426 = %broadcast_in_dim3A_28) -> (vector<16xf32>, vector<16xf32>, vector<16xf32>, vector<16xf32>, vector<16xf32>, vector<16xf32>, vector<16xf32>, vector<16xf32>)  : i32 {
        %mul3A_427 = arith.constant 8 : i32
        %mul3A_428 = arith.muli %scan3A_418, %mul3A_427 : i32
        %add3A_429 = arith.constant 200 : i32
        %add3A_430 = arith.addi %add3A_429, %mul3A_428 : i32
        %add3A_431 = arith.constant 0 : i32
        %add3A_432 = arith.addi %add3A_430, %add3A_431 : i32
        %get3A_433 = arith.constant 0 : i32
        %get3A_434 = arith.index_cast %get3A_433 : i32 to index
        %get3A_435 = arith.index_cast %add3A_432 : i32 to index
        %get3A_436 = arith.constant 0 : index
        %get3A_437 = tpu.vector_load %arg16[%get3A_434, %get3A_435, %get3A_436] {strides = array<i32>} : memref<2x400x64xf32, #tpu.memory_space<vmem>>, vector<16xf32>,
        %add3A_438 = arith.addf %scan3A_419, %get3A_437 : vector<16xf32>
        %get3A_439 = arith.constant 0 : i32
        %get3A_440 = arith.index_cast %get3A_439 : i32 to index
        %get3A_441 = arith.index_cast %add3A_432 : i32 to index
        %get3A_442 = arith.constant 16 : index
        %get3A_443 = tpu.vector_load %arg16[%get3A_440, %get3A_441, %get3A_442] {strides = array<i32>} : memref<2x400x64xf32, #tpu.memory_space<vmem>>, vector<16xf32>,
        %add3A_444 = arith.addf %scan3A_420, %get3A_443 : vector<16xf32>
        %get3A_445 = arith.constant 0 : i32
        %get3A_446 = arith.index_cast %get3A_445 : i32 to index
        %get3A_447 = arith.index_cast %add3A_432 : i32 to index
        %get3A_448 = arith.constant 32 : index
        %get3A_449 = tpu.vector_load %arg16[%get3A_446, %get3A_447, %get3A_448] {strides = array<i32>} : memref<2x400x64xf32, #tpu.memory_space<vmem>>, vector<16xf32>,
        %add3A_450 = arith.addf %scan3A_421, %get3A_449 : vector<16xf32>
        %get3A_451 = arith.constant 0 : i32
        %get3A_452 = arith.index_cast %get3A_451 : i32 to index
        %get3A_453 = arith.index_cast %add3A_432 : i32 to index
        %get3A_454 = arith.constant 48 : index
        %get3A_455 = tpu.vector_load %arg16[%get3A_452, %get3A_453, %get3A_454] {strides = array<i32>} : memref<2x400x64xf32, #tpu.memory_space<vmem>>, vector<16xf32>,
        %add3A_456 = arith.addf %scan3A_422, %get3A_455 : vector<16xf32>
        %mul3A_457 = arith.constant 8 : i32
        %mul3A_458 = arith.muli %scan3A_418, %mul3A_457 : i32
        %add3A_459 = arith.constant 200 : i32
        %add3A_460 = arith.addi %add3A_459, %mul3A_458 : i32
        %add3A_461 = arith.constant 1 : i32
        %add3A_462 = arith.addi %add3A_460, %add3A_461 : i32
        %get3A_463 = arith.constant 0 : i32
        %get3A_464 = arith.index_cast %get3A_463 : i32 to index
        %get3A_465 = arith.index_cast %add3A_462 : i32 to index
        %get3A_466 = arith.constant 0 : index
        %get3A_467 = tpu.vector_load %arg16[%get3A_464, %get3A_465, %get3A_466] {strides = array<i32>} : memref<2x400x64xf32, #tpu.memory_space<vmem>>, vector<16xf32>,
        %add3A_468 = arith.addf %scan3A_423, %get3A_467 : vector<16xf32>
        %get3A_469 = arith.constant 0 : i32
        %get3A_470 = arith.index_cast %get3A_469 : i32 to index
        %get3A_471 = arith.index_cast %add3A_462 : i32 to index
        %get3A_472 = arith.constant 16 : index
        %get3A_473 = tpu.vector_load %arg16[%get3A_470, %get3A_471, %get3A_472] {strides = array<i32>} : memref<2x400x64xf32, #tpu.memory_space<vmem>>, vector<16xf32>,
        %add3A_474 = arith.addf %scan3A_424, %get3A_473 : vector<16xf32>
        %get3A_475 = arith.constant 0 : i32
        %get3A_476 = arith.index_cast %get3A_475 : i32 to index
        %get3A_477 = arith.index_cast %add3A_462 : i32 to index
        %get3A_478 = arith.constant 32 : index
        %get3A_479 = tpu.vector_load %arg16[%get3A_476, %get3A_477, %get3A_478] {strides = array<i32>} : memref<2x400x64xf32, #tpu.memory_space<vmem>>, vector<16xf32>,
        %add3A_480 = arith.addf %scan3A_425, %get3A_479 : vector<16xf32>
        %get3A_481 = arith.constant 0 : i32
        %get3A_482 = arith.index_cast %get3A_481 : i32 to index
        %get3A_483 = arith.index_cast %add3A_462 : i32 to index
        %get3A_484 = arith.constant 48 : index
        %get3A_485 = tpu.vector_load %arg16[%get3A_482, %get3A_483, %get3A_484] {strides = array<i32>} : memref<2x400x64xf32, #tpu.memory_space<vmem>>, vector<16xf32>,
        %add3A_486 = arith.addf %scan3A_426, %get3A_485 : vector<16xf32>
        %mul3A_487 = arith.constant 8 : i32
        %mul3A_488 = arith.muli %scan3A_418, %mul3A_487 : i32
        %add3A_489 = arith.constant 200 : i32
        %add3A_490 = arith.addi %add3A_489, %mul3A_488 : i32
        %add3A_491 = arith.constant 2 : i32
        %add3A_492 = arith.addi %add3A_490, %add3A_491 : i32
        %get3A_493 = arith.constant 0 : i32
        %get3A_494 = arith.index_cast %get3A_493 : i32 to index
        %get3A_495 = arith.index_cast %add3A_492 : i32 to index
        %get3A_496 = arith.constant 0 : index
        %get3A_497 = tpu.vector_load %arg16[%get3A_494, %get3A_495, %get3A_496] {strides = array<i32>} : memref<2x400x64xf32, #tpu.memory_space<vmem>>, vector<16xf32>,
        %add3A_498 = arith.addf %add3A_438, %get3A_497 : vector<16xf32>
        %get3A_499 = arith.constant 0 : i32
        %get3A_500 = arith.index_cast %get3A_499 : i32 to index
        %get3A_501 = arith.index_cast %add3A_492 : i32 to index
        %get3A_502 = arith.constant 16 : index
        %get3A_503 = tpu.vector_load %arg16[%get3A_500, %get3A_501, %get3A_502] {strides = array<i32>} : memref<2x400x64xf32, #tpu.memory_space<vmem>>, vector<16xf32>,
        %add3A_504 = arith.addf %add3A_444, %get3A_503 : vector<16xf32>
        %get3A_505 = arith.constant 0 : i32
        %get3A_506 = arith.index_cast %get3A_505 : i32 to index
        %get3A_507 = arith.index_cast %add3A_492 : i32 to index
        %get3A_508 = arith.constant 32 : index
        %get3A_509 = tpu.vector_load %arg16[%get3A_506, %get3A_507, %get3A_508] {strides = array<i32>} : memref<2x400x64xf32, #tpu.memory_space<vmem>>, vector<16xf32>,
        %add3A_510 = arith.addf %add3A_450, %get3A_509 : vector<16xf32>
        %get3A_511 = arith.constant 0 : i32
        %get3A_512 = arith.index_cast %get3A_511 : i32 to index
        %get3A_513 = arith.index_cast %add3A_492 : i32 to index
        %get3A_514 = arith.constant 48 : index
        %get3A_515 = tpu.vector_load %arg16[%get3A_512, %get3A_513, %get3A_514] {strides = array<i32>} : memref<2x400x64xf32, #tpu.memory_space<vmem>>, vector<16xf32>,
        %add3A_516 = arith.addf %add3A_456, %get3A_515 : vector<16xf32>
        %mul3A_517 = arith.constant 8 : i32
        %mul3A_518 = arith.muli %scan3A_418, %mul3A_517 : i32
        %add3A_519 = arith.constant 200 : i32
        %add3A_520 = arith.addi %add3A_519, %mul3A_518 : i32
        %add3A_521 = arith.constant 3 : i32
        %add3A_522 = arith.addi %add3A_520, %add3A_521 : i32
        %get3A_523 = arith.constant 0 : i32
        %get3A_524 = arith.index_cast %get3A_523 : i32 to index
        %get3A_525 = arith.index_cast %add3A_522 : i32 to index
        %get3A_526 = arith.constant 0 : index
        %get3A_527 = tpu.vector_load %arg16[%get3A_524, %get3A_525, %get3A_526] {strides = array<i32>} : memref<2x400x64xf32, #tpu.memory_space<vmem>>, vector<16xf32>,
        %add3A_528 = arith.addf %add3A_468, %get3A_527 : vector<16xf32>
        %get3A_529 = arith.constant 0 : i32
        %get3A_530 = arith.index_cast %get3A_529 : i32 to index
        %get3A_531 = arith.index_cast %add3A_522 : i32 to index
        %get3A_532 = arith.constant 16 : index
        %get3A_533 = tpu.vector_load %arg16[%get3A_530, %get3A_531, %get3A_532] {strides = array<i32>} : memref<2x400x64xf32, #tpu.memory_space<vmem>>, vector<16xf32>,
        %add3A_534 = arith.addf %add3A_474, %get3A_533 : vector<16xf32>
        %get3A_535 = arith.constant 0 : i32
        %get3A_536 = arith.index_cast %get3A_535 : i32 to index
        %get3A_537 = arith.index_cast %add3A_522 : i32 to index
        %get3A_538 = arith.constant 32 : index
        %get3A_539 = tpu.vector_load %arg16[%get3A_536, %get3A_537, %get3A_538] {strides = array<i32>} : memref<2x400x64xf32, #tpu.memory_space<vmem>>, vector<16xf32>,
        %add3A_540 = arith.addf %add3A_480, %get3A_539 : vector<16xf32>
        %get3A_541 = arith.constant 0 : i32
        %get3A_542 = arith.index_cast %get3A_541 : i32 to index
        %get3A_543 = arith.index_cast %add3A_522 : i32 to index
        %get3A_544 = arith.constant 48 : index
        %get3A_545 = tpu.vector_load %arg16[%get3A_542, %get3A_543, %get3A_544] {strides = array<i32>} : memref<2x400x64xf32, #tpu.memory_space<vmem>>, vector<16xf32>,
        %add3A_546 = arith.addf %add3A_486, %get3A_545 : vector<16xf32>
        %mul3A_547 = arith.constant 8 : i32
        %mul3A_548 = arith.muli %scan3A_418, %mul3A_547 : i32
        %add3A_549 = arith.constant 200 : i32
        %add3A_550 = arith.addi %add3A_549, %mul3A_548 : i32
        %add3A_551 = arith.constant 4 : i32
        %add3A_552 = arith.addi %add3A_550, %add3A_551 : i32
        %get3A_553 = arith.constant 0 : i32
        %get3A_554 = arith.index_cast %get3A_553 : i32 to index
        %get3A_555 = arith.index_cast %add3A_552 : i32 to index
        %get3A_556 = arith.constant 0 : index
        %get3A_557 = tpu.vector_load %arg16[%get3A_554, %get3A_555, %get3A_556] {strides = array<i32>} : memref<2x400x64xf32, #tpu.memory_space<vmem>>, vector<16xf32>,
        %add3A_558 = arith.addf %add3A_498, %get3A_557 : vector<16xf32>
        %get3A_559 = arith.constant 0 : i32
        %get3A_560 = arith.index_cast %get3A_559 : i32 to index
        %get3A_561 = arith.index_cast %add3A_552 : i32 to index
        %get3A_562 = arith.constant 16 : index
        %get3A_563 = tpu.vector_load %arg16[%get3A_560, %get3A_561, %get3A_562] {strides = array<i32>} : memref<2x400x64xf32, #tpu.memory_space<vmem>>, vector<16xf32>,
        %add3A_564 = arith.addf %add3A_504, %get3A_563 : vector<16xf32>
        %get3A_565 = arith.constant 0 : i32
        %get3A_566 = arith.index_cast %get3A_565 : i32 to index
        %get3A_567 = arith.index_cast %add3A_552 : i32 to index
        %get3A_568 = arith.constant 32 : index
        %get3A_569 = tpu.vector_load %arg16[%get3A_566, %get3A_567, %get3A_568] {strides = array<i32>} : memref<2x400x64xf32, #tpu.memory_space<vmem>>, vector<16xf32>,
        %add3A_570 = arith.addf %add3A_510, %get3A_569 : vector<16xf32>
        %get3A_571 = arith.constant 0 : i32
        %get3A_572 = arith.index_cast %get3A_571 : i32 to index
        %get3A_573 = arith.index_cast %add3A_552 : i32 to index
        %get3A_574 = arith.constant 48 : index
        %get3A_575 = tpu.vector_load %arg16[%get3A_572, %get3A_573, %get3A_574] {strides = array<i32>} : memref<2x400x64xf32, #tpu.memory_space<vmem>>, vector<16xf32>,
        %add3A_576 = arith.addf %add3A_516, %get3A_575 : vector<16xf32>
        %mul3A_577 = arith.constant 8 : i32
        %mul3A_578 = arith.muli %scan3A_418, %mul3A_577 : i32
        %add3A_579 = arith.constant 200 : i32
        %add3A_580 = arith.addi %add3A_579, %mul3A_578 : i32
        %add3A_581 = arith.constant 5 : i32
        %add3A_582 = arith.addi %add3A_580, %add3A_581 : i32
        %get3A_583 = arith.constant 0 : i32
        %get3A_584 = arith.index_cast %get3A_583 : i32 to index
        %get3A_585 = arith.index_cast %add3A_582 : i32 to index
        %get3A_586 = arith.constant 0 : index
        %get3A_587 = tpu.vector_load %arg16[%get3A_584, %get3A_585, %get3A_586] {strides = array<i32>} : memref<2x400x64xf32, #tpu.memory_space<vmem>>, vector<16xf32>,
        %add3A_588 = arith.addf %add3A_528, %get3A_587 : vector<16xf32>
        %get3A_589 = arith.constant 0 : i32
        %get3A_590 = arith.index_cast %get3A_589 : i32 to index
        %get3A_591 = arith.index_cast %add3A_582 : i32 to index
        %get3A_592 = arith.constant 16 : index
        %get3A_593 = tpu.vector_load %arg16[%get3A_590, %get3A_591, %get3A_592] {strides = array<i32>} : memref<2x400x64xf32, #tpu.memory_space<vmem>>, vector<16xf32>,
        %add3A_594 = arith.addf %add3A_534, %get3A_593 : vector<16xf32>
        %get3A_595 = arith.constant 0 : i32
        %get3A_596 = arith.index_cast %get3A_595 : i32 to index
        %get3A_597 = arith.index_cast %add3A_582 : i32 to index
        %get3A_598 = arith.constant 32 : index
        %get3A_599 = tpu.vector_load %arg16[%get3A_596, %get3A_597, %get3A_598] {strides = array<i32>} : memref<2x400x64xf32, #tpu.memory_space<vmem>>, vector<16xf32>,
        %add3A_600 = arith.addf %add3A_540, %get3A_599 : vector<16xf32>
        %get3A_601 = arith.constant 0 : i32
        %get3A_602 = arith.index_cast %get3A_601 : i32 to index
        %get3A_603 = arith.index_cast %add3A_582 : i32 to index
        %get3A_604 = arith.constant 48 : index
        %get3A_605 = tpu.vector_load %arg16[%get3A_602, %get3A_603, %get3A_604] {strides = array<i32>} : memref<2x400x64xf32, #tpu.memory_space<vmem>>, vector<16xf32>,
        %add3A_606 = arith.addf %add3A_546, %get3A_605 : vector<16xf32>
        %mul3A_607 = arith.constant 8 : i32
        %mul3A_608 = arith.muli %scan3A_418, %mul3A_607 : i32
        %add3A_609 = arith.constant 200 : i32
        %add3A_610 = arith.addi %add3A_609, %mul3A_608 : i32
        %add3A_611 = arith.constant 6 : i32
        %add3A_612 = arith.addi %add3A_610, %add3A_611 : i32
        %get3A_613 = arith.constant 0 : i32
        %get3A_614 = arith.index_cast %get3A_613 : i32 to index
        %get3A_615 = arith.index_cast %add3A_612 : i32 to index
        %get3A_616 = arith.constant 0 : index
        %get3A_617 = tpu.vector_load %arg16[%get3A_614, %get3A_615, %get3A_616] {strides = array<i32>} : memref<2x400x64xf32, #tpu.memory_space<vmem>>, vector<16xf32>,
        %add3A_618 = arith.addf %add3A_558, %get3A_617 : vector<16xf32>
        %get3A_619 = arith.constant 0 : i32
        %get3A_620 = arith.index_cast %get3A_619 : i32 to index
        %get3A_621 = arith.index_cast %add3A_612 : i32 to index
        %get3A_622 = arith.constant 16 : index
        %get3A_623 = tpu.vector_load %arg16[%get3A_620, %get3A_621, %get3A_622] {strides = array<i32>} : memref<2x400x64xf32, #tpu.memory_space<vmem>>, vector<16xf32>,
        %add3A_624 = arith.addf %add3A_564, %get3A_623 : vector<16xf32>
        %get3A_625 = arith.constant 0 : i32
        %get3A_626 = arith.index_cast %get3A_625 : i32 to index
        %get3A_627 = arith.index_cast %add3A_612 : i32 to index
        %get3A_628 = arith.constant 32 : index
        %get3A_629 = tpu.vector_load %arg16[%get3A_626, %get3A_627, %get3A_628] {strides = array<i32>} : memref<2x400x64xf32, #tpu.memory_space<vmem>>, vector<16xf32>,
        %add3A_630 = arith.addf %add3A_570, %get3A_629 : vector<16xf32>
        %get3A_631 = arith.constant 0 : i32
        %get3A_632 = arith.index_cast %get3A_631 : i32 to index
        %get3A_633 = arith.index_cast %add3A_612 : i32 to index
        %get3A_634 = arith.constant 48 : index
        %get3A_635 = tpu.vector_load %arg16[%get3A_632, %get3A_633, %get3A_634] {strides = array<i32>} : memref<2x400x64xf32, #tpu.memory_space<vmem>>, vector<16xf32>,
        %add3A_636 = arith.addf %add3A_576, %get3A_635 : vector<16xf32>
        %mul3A_637 = arith.constant 8 : i32
        %mul3A_638 = arith.muli %scan3A_418, %mul3A_637 : i32
        %add3A_639 = arith.constant 200 : i32
        %add3A_640 = arith.addi %add3A_639, %mul3A_638 : i32
        %add3A_641 = arith.constant 7 : i32
        %add3A_642 = arith.addi %add3A_640, %add3A_641 : i32
        %get3A_643 = arith.constant 0 : i32
        %get3A_644 = arith.index_cast %get3A_643 : i32 to index
        %get3A_645 = arith.index_cast %add3A_642 : i32 to index
        %get3A_646 = arith.constant 0 : index
        %get3A_647 = tpu.vector_load %arg16[%get3A_644, %get3A_645, %get3A_646] {strides = array<i32>} : memref<2x400x64xf32, #tpu.memory_space<vmem>>, vector<16xf32>,
        %add3A_648 = arith.addf %add3A_588, %get3A_647 : vector<16xf32>
        %get3A_649 = arith.constant 0 : i32
        %get3A_650 = arith.index_cast %get3A_649 : i32 to index
        %get3A_651 = arith.index_cast %add3A_642 : i32 to index
        %get3A_652 = arith.constant 16 : index
        %get3A_653 = tpu.vector_load %arg16[%get3A_650, %get3A_651, %get3A_652] {strides = array<i32>} : memref<2x400x64xf32, #tpu.memory_space<vmem>>, vector<16xf32>,
        %add3A_654 = arith.addf %add3A_594, %get3A_653 : vector<16xf32>
        %get3A_655 = arith.constant 0 : i32
        %get3A_656 = arith.index_cast %get3A_655 : i32 to index
        %get3A_657 = arith.index_cast %add3A_642 : i32 to index
        %get3A_658 = arith.constant 32 : index
        %get3A_659 = tpu.vector_load %arg16[%get3A_656, %get3A_657, %get3A_658] {strides = array<i32>} : memref<2x400x64xf32, #tpu.memory_space<vmem>>, vector<16xf32>,
        %add3A_660 = arith.addf %add3A_600, %get3A_659 : vector<16xf32>
        %get3A_661 = arith.constant 0 : i32
        %get3A_662 = arith.index_cast %get3A_661 : i32 to index
        %get3A_663 = arith.index_cast %add3A_642 : i32 to index
        %get3A_664 = arith.constant 48 : index
        %get3A_665 = tpu.vector_load %arg16[%get3A_662, %get3A_663, %get3A_664] {strides = array<i32>} : memref<2x400x64xf32, #tpu.memory_space<vmem>>, vector<16xf32>,
        %add3A_666 = arith.addf %add3A_606, %get3A_665 : vector<16xf32>
        scf.yield %add3A_618, %add3A_624, %add3A_630, %add3A_636, %add3A_648, %add3A_654, %add3A_660, %add3A_666 : vector<16xf32>, vector<16xf32>, vector<16xf32>, vector<16xf32>, vector<16xf32>, vector<16xf32>, vector<16xf32>, vector<16xf32>
      }
      %scan3A_183 = arith.constant 25 : i32
      %add3A_184 = arith.addf %scan3A_182#0, %scan3A_182#4 : vector<16xf32>
      %add3A_185 = arith.addf %scan3A_182#1, %scan3A_182#5 : vector<16xf32>
      %add3A_186 = arith.addf %scan3A_182#2, %scan3A_182#6 : vector<16xf32>
      %add3A_187 = arith.addf %scan3A_182#3, %scan3A_182#7 : vector<16xf32>
      %add3A_188 = arith.constant 2 : i32
      %add3A_189 = arith.addi %add3A_134, %add3A_188 : i32
      %lt3A_190 = arith.constant 128 : i32
      %lt3A_191 = arith.cmpi slt, %add3A_189, %lt3A_190 : i32
      %convert_element_type3A_192 = arith.extui %lt3A_191 : i1 to i32
      %cond3A_193 = arith.constant 0 : i32
      %cond3A_194 = arith.cmpi ne, %convert_element_type3A_192, %cond3A_193 : i32
      scf.if %cond3A_194 {
        %add3A_418 = arith.constant 2 : i32
        %add3A_419 = arith.addi %add3A_134, %add3A_418 : i32
        %dma_start3A_420 = arith.constant 0 : i32
        %dma_start3A_421 = arith.constant 200 : i32
        %dma_start3A_422 = arith.constant 0 : i32
        %dma_start3A_423 = tpu.memref_slice %arg16[%dma_start3A_420, %dma_start3A_421, %dma_start3A_422] : memref<2x400x64xf32, #tpu.memory_space<vmem>> -> memref<1x128x64xf32, #tpu.memory_space<vmem>>
        %dma_start3A_424 = tpu.memref_squeeze %dma_start3A_423 : memref<1x128x64xf32, #tpu.memory_space<vmem>> -> memref<128x64xf32, #tpu.memory_space<vmem>>
        %dma_start3A_425 = arith.constant 0 : i32
        %dma_start3A_426 = tpu.memref_slice %arg11[%add3A_419, %dma_start3A_425] : memref<128x200xi32, #tpu.memory_space<vmem>> -> memref<1x128xi32, #tpu.memory_space<vmem>>
        %dma_start3A_427 = tpu.memref_squeeze %dma_start3A_426 : memref<1x128xi32, #tpu.memory_space<vmem>> -> memref<128xi32, #tpu.memory_space<vmem>>
        %dma_start3A_428 = arith.constant 0 : i32
        %dma_start3A_429 = arith.constant 0 : i32
        %dma_start3A_430 = tpu.memref_slice %arg6[%dma_start3A_428, %dma_start3A_429] : memref<1000000x64xf32, #tpu.memory_space<hbm>> -> memref<1000000x64xf32, #tpu.memory_space<hbm>>
        tpu.enqueue_indirect_dma source(%dma_start3A_430 : memref<1000000x64xf32, #tpu.memory_space<hbm>>) target(%dma_start3A_424 : memref<128x64xf32, #tpu.memory_space<vmem>>) offsets(%dma_start3A_427 : memref<128xi32, #tpu.memory_space<vmem>>) semaphore(%arg20 : memref<!tpu.dma_semaphore, #tpu.memory_space<semaphore_mem>>)
        %dma_start3A_431 = arith.constant 0 : i32
        %dma_start3A_432 = arith.constant 328 : i32
        %dma_start3A_433 = arith.constant 0 : i32
        %dma_start3A_434 = tpu.memref_slice %arg16[%dma_start3A_431, %dma_start3A_432, %dma_start3A_433] : memref<2x400x64xf32, #tpu.memory_space<vmem>> -> memref<1x72x64xf32, #tpu.memory_space<vmem>>
        %dma_start3A_435 = tpu.memref_squeeze %dma_start3A_434 : memref<1x72x64xf32, #tpu.memory_space<vmem>> -> memref<72x64xf32, #tpu.memory_space<vmem>>
        %dma_start3A_436 = arith.constant 128 : i32
        %dma_start3A_437 = tpu.memref_slice %arg11[%add3A_419, %dma_start3A_436] : memref<128x200xi32, #tpu.memory_space<vmem>> -> memref<1x72xi32, #tpu.memory_space<vmem>>
        %dma_start3A_438 = tpu.memref_squeeze %dma_start3A_437 : memref<1x72xi32, #tpu.memory_space<vmem>> -> memref<72xi32, #tpu.memory_space<vmem>>
        %dma_start3A_439 = arith.constant 0 : i32
        %dma_start3A_440 = arith.constant 0 : i32
        %dma_start3A_441 = tpu.memref_slice %arg6[%dma_start3A_439, %dma_start3A_440] : memref<1000000x64xf32, #tpu.memory_space<hbm>> -> memref<1000000x64xf32, #tpu.memory_space<hbm>>
        tpu.enqueue_indirect_dma source(%dma_start3A_441 : memref<1000000x64xf32, #tpu.memory_space<hbm>>) target(%dma_start3A_435 : memref<72x64xf32, #tpu.memory_space<vmem>>) offsets(%dma_start3A_438 : memref<72xi32, #tpu.memory_space<vmem>>) semaphore(%arg20 : memref<!tpu.dma_semaphore, #tpu.memory_space<semaphore_mem>>)
      } else {
      }
      %get3A_195 = arith.index_cast %add3A_134 : i32 to index
      %get3A_196 = tpu.vector_load %arg12[%get3A_195] {strides = array<i32>} : memref<144xf32, #tpu.memory_space<vmem>>, vector<16xf32>,
      %slice3A = vector.extract_strided_slice %get3A_196 {offsets = [0], sizes = [1], strides = [1]} : vector<16xf32> to vector<1xf32>
      %squeeze3A = vector.extract %slice3A[0] : f32 from vector<1xf32>
      %broadcast_in_dim3A_197 = vector.broadcast %squeeze3A : f32 to vector<16xf32>
      %get3A_198 = arith.index_cast %add3A_134 : i32 to index
      %get3A_199 = tpu.vector_load %arg13[%get3A_198] {strides = array<i32>} : memref<144xf32, #tpu.memory_space<vmem>>, vector<16xf32>,
      %slice3A_200 = vector.extract_strided_slice %get3A_199 {offsets = [0], sizes = [1], strides = [1]} : vector<16xf32> to vector<1xf32>
      %squeeze3A_201 = vector.extract %slice3A_200[0] : f32 from vector<1xf32>
      %broadcast_in_dim3A_202 = vector.broadcast %squeeze3A_201 : f32 to vector<16xf32>
      %mul3A_203 = arith.mulf %add3A_155, %broadcast_in_dim3A_197 : vector<16xf32>
      %mul3A_204 = arith.mulf %add3A_184, %broadcast_in_dim3A_202 : vector<16xf32>
      %add3A_205 = arith.addf %mul3A_203, %mul3A_204 : vector<16xf32>
      %mul3A_206 = arith.mulf %add3A_156, %broadcast_in_dim3A_197 : vector<16xf32>
      %mul3A_207 = arith.mulf %add3A_185, %broadcast_in_dim3A_202 : vector<16xf32>
      %add3A_208 = arith.addf %mul3A_206, %mul3A_207 : vector<16xf32>
      %mul3A_209 = arith.mulf %add3A_157, %broadcast_in_dim3A_197 : vector<16xf32>
      %mul3A_210 = arith.mulf %add3A_186, %broadcast_in_dim3A_202 : vector<16xf32>
      %add3A_211 = arith.addf %mul3A_209, %mul3A_210 : vector<16xf32>
      %mul3A_212 = arith.mulf %add3A_158, %broadcast_in_dim3A_197 : vector<16xf32>
      %mul3A_213 = arith.mulf %add3A_187, %broadcast_in_dim3A_202 : vector<16xf32>
      %add3A_214 = arith.addf %mul3A_212, %mul3A_213 : vector<16xf32>
      %mul3A_215 = arith.mulf %add3A_205, %get3A_3 : vector<16xf32>
      %mul3A_216 = arith.mulf %add3A_208, %get3A_5 : vector<16xf32>
      %add3A_217 = arith.addf %mul3A_215, %mul3A_216 : vector<16xf32>
      %mul3A_218 = arith.mulf %add3A_211, %get3A_7 : vector<16xf32>
      %add3A_219 = arith.addf %add3A_217, %mul3A_218 : vector<16xf32>
      %mul3A_220 = arith.mulf %add3A_214, %get3A_9 : vector<16xf32>
      %add3A_221 = arith.addf %add3A_219, %mul3A_220 : vector<16xf32>
      %reduce_sum3A = arith.constant true
      %reduce_sum3A_222 = vector.broadcast %reduce_sum3A : i1 to vector<16xi1>
      %reduce_sum3A_223 = tpu.scan <sum>, %add3A_221 masked %reduce_sum3A_222 : vector<16xf32>, vector<16xi1> -> vector<16xf32>
      %reduce_sum3A_224 = vector.extract %reduce_sum3A_223[15] : f32 from vector<16xf32>
      %eq3A = arith.constant 0 : i32
      %eq3A_225 = vector.broadcast %eq3A : i32 to vector<16xi32>
      %eq3A_226 = arith.cmpi eq, %iota3A, %eq3A_225 : vector<16xi32>
      %broadcast_in_dim3A_227 = vector.broadcast %reduce_sum3A_224 : f32 to vector<16xf32>
      %jit3A = arith.constant 0.000000e+00 : f32
      %broadcast_in_dim3A_228 = vector.broadcast %jit3A : f32 to vector<16xf32>
      %select_n3A = arith.select %eq3A_226, %broadcast_in_dim3A_227, %broadcast_in_dim3A_228 : vector<16xi1>, vector<16xf32>
      %add3A_229 = arith.addf %get3A_27, %select_n3A : vector<16xf32>
      %mul3A_230 = arith.mulf %add3A_205, %get3A_11 : vector<16xf32>
      %mul3A_231 = arith.mulf %add3A_208, %get3A_13 : vector<16xf32>
      %add3A_232 = arith.addf %mul3A_230, %mul3A_231 : vector<16xf32>
      %mul3A_233 = arith.mulf %add3A_211, %get3A_15 : vector<16xf32>
      %add3A_234 = arith.addf %add3A_232, %mul3A_233 : vector<16xf32>
      %mul3A_235 = arith.mulf %add3A_214, %get3A_17 : vector<16xf32>
      %add3A_236 = arith.addf %add3A_234, %mul3A_235 : vector<16xf32>
      %reduce_sum3A_237 = arith.constant true
      %reduce_sum3A_238 = vector.broadcast %reduce_sum3A_237 : i1 to vector<16xi1>
      %reduce_sum3A_239 = tpu.scan <sum>, %add3A_236 masked %reduce_sum3A_238 : vector<16xf32>, vector<16xi1> -> vector<16xf32>
      %reduce_sum3A_240 = vector.extract %reduce_sum3A_239[15] : f32 from vector<16xf32>
      %eq3A_241 = arith.constant 1 : i32
      %eq3A_242 = vector.broadcast %eq3A_241 : i32 to vector<16xi32>
      %eq3A_243 = arith.cmpi eq, %iota3A, %eq3A_242 : vector<16xi32>
      %broadcast_in_dim3A_244 = vector.broadcast %reduce_sum3A_240 : f32 to vector<16xf32>
      %jit3A_245 = arith.constant 0.000000e+00 : f32
      %broadcast_in_dim3A_246 = vector.broadcast %jit3A_245 : f32 to vector<16xf32>
      %select_n3A_247 = arith.select %eq3A_243, %broadcast_in_dim3A_244, %broadcast_in_dim3A_246 : vector<16xi1>, vector<16xf32>
      %add3A_248 = arith.addf %add3A_229, %select_n3A_247 : vector<16xf32>
      %mul3A_249 = arith.mulf %add3A_205, %get3A_19 : vector<16xf32>
      %mul3A_250 = arith.mulf %add3A_208, %get3A_21 : vector<16xf32>
      %add3A_251 = arith.addf %mul3A_249, %mul3A_250 : vector<16xf32>
      %mul3A_252 = arith.mulf %add3A_211, %get3A_23 : vector<16xf32>
      %add3A_253 = arith.addf %add3A_251, %mul3A_252 : vector<16xf32>
      %mul3A_254 = arith.mulf %add3A_214, %get3A_25 : vector<16xf32>
      %add3A_255 = arith.addf %add3A_253, %mul3A_254 : vector<16xf32>
      %reduce_sum3A_256 = arith.constant true
      %reduce_sum3A_257 = vector.broadcast %reduce_sum3A_256 : i1 to vector<16xi1>
      %reduce_sum3A_258 = tpu.scan <sum>, %add3A_255 masked %reduce_sum3A_257 : vector<16xf32>, vector<16xi1> -> vector<16xf32>
      %reduce_sum3A_259 = vector.extract %reduce_sum3A_258[15] : f32 from vector<16xf32>
      %eq3A_260 = arith.constant 2 : i32
      %eq3A_261 = vector.broadcast %eq3A_260 : i32 to vector<16xi32>
      %eq3A_262 = arith.cmpi eq, %iota3A, %eq3A_261 : vector<16xi32>
      %broadcast_in_dim3A_263 = vector.broadcast %reduce_sum3A_259 : f32 to vector<16xf32>
      %jit3A_264 = arith.constant 0.000000e+00 : f32
      %broadcast_in_dim3A_265 = vector.broadcast %jit3A_264 : f32 to vector<16xf32>
      %select_n3A_266 = arith.select %eq3A_262, %broadcast_in_dim3A_263, %broadcast_in_dim3A_265 : vector<16xi1>, vector<16xf32>
      %add3A_267 = arith.addf %add3A_248, %select_n3A_266 : vector<16xf32>
      %swap3A = arith.index_cast %add3A_134 : i32 to index
      %swap3A_268 = arith.constant 0 : index
      %swap3A_269 = tpu.vector_load %arg17[%swap3A, %swap3A_268] {strides = array<i32>} : memref<128x16xf32, #tpu.memory_space<vmem>>, vector<16xf32>,
      tpu.vector_store %arg17[%swap3A, %swap3A_268], %add3A_267 {strides = array<i32>} : memref<128x16xf32, #tpu.memory_space<vmem>>, vector<16xf32>,
      %add3A_270 = arith.constant 1 : i32
      %add3A_271 = arith.addi %add3A_132, %add3A_270 : i32
      %dma_wait3A_272 = arith.constant 1 : i32
      %dma_wait3A_273 = arith.constant 0 : i32
      %dma_wait3A_274 = arith.constant 0 : i32
      %dma_wait3A_275 = tpu.memref_slice %arg16[%dma_wait3A_272, %dma_wait3A_273, %dma_wait3A_274] : memref<2x400x64xf32, #tpu.memory_space<vmem>> -> memref<1x200x64xf32, #tpu.memory_space<vmem>>
      %dma_wait3A_276 = tpu.memref_squeeze %dma_wait3A_275 : memref<1x200x64xf32, #tpu.memory_space<vmem>> -> memref<200x64xf32, #tpu.memory_space<vmem>>
      %dma_wait3A_277 = arith.constant 0 : i32
      %dma_wait3A_278 = arith.constant 0 : i32
      %dma_wait3A_279 = tpu.memref_slice %arg6[%dma_wait3A_277, %dma_wait3A_278] : memref<1000000x64xf32, #tpu.memory_space<hbm>> -> memref<200x64xf32, #tpu.memory_space<hbm>>
      %dma_wait3A_280 = arith.constant 0 : i32
      %dma_wait3A_281 = arith.constant 0 : i32
      %dma_wait3A_282 = tpu.memref_slice %arg16[%dma_wait3A_272, %dma_wait3A_280, %dma_wait3A_281] : memref<2x400x64xf32, #tpu.memory_space<vmem>> -> memref<1x200x64xf32, #tpu.memory_space<vmem>>
      %dma_wait3A_283 = tpu.memref_squeeze %dma_wait3A_282 : memref<1x200x64xf32, #tpu.memory_space<vmem>> -> memref<200x64xf32, #tpu.memory_space<vmem>>
      %dma_wait3A_284 = arith.constant 0 : i32
      %dma_wait3A_285 = arith.constant 0 : i32
      %dma_wait3A_286 = tpu.memref_slice %arg6[%dma_wait3A_284, %dma_wait3A_285] : memref<1000000x64xf32, #tpu.memory_space<hbm>> -> memref<200x64xf32, #tpu.memory_space<hbm>>
      tpu.wait_dma2 semaphore(%arg19 : memref<!tpu.dma_semaphore, #tpu.memory_space<semaphore_mem>>) src(%dma_wait3A_286 : memref<200x64xf32, #tpu.memory_space<hbm>>) dst(%dma_wait3A_283 : memref<200x64xf32, #tpu.memory_space<vmem>>)
      %scan3A_287 = arith.constant 0 : i32
      %scan3A_288 = arith.constant 25 : i32
      %scan3A_289 = arith.addi %scan3A_287, %scan3A_288 : i32
      %scan3A_290 = arith.constant 1 : i32
      %scan3A_291:8 = scf.for %scan3A_418 = %scan3A_287 to %scan3A_289 step %scan3A_290 iter_args(%scan3A_419 = %broadcast_in_dim3A_28, %scan3A_420 = %broadcast_in_dim3A_28, %scan3A_421 = %broadcast_in_dim3A_28, %scan3A_422 = %broadcast_in_dim3A_28, %scan3A_423 = %broadcast_in_dim3A_28, %scan3A_424 = %broadcast_in_dim3A_28, %scan3A_425 = %broadcast_in_dim3A_28, %scan3A_426 = %broadcast_in_dim3A_28) -> (vector<16xf32>, vector<16xf32>, vector<16xf32>, vector<16xf32>, vector<16xf32>, vector<16xf32>, vector<16xf32>, vector<16xf32>)  : i32 {
        %mul3A_427 = arith.constant 8 : i32
        %mul3A_428 = arith.muli %scan3A_418, %mul3A_427 : i32
        %add3A_429 = arith.constant 0 : i32
        %add3A_430 = arith.addi %add3A_429, %mul3A_428 : i32
        %add3A_431 = arith.constant 0 : i32
        %add3A_432 = arith.addi %add3A_430, %add3A_431 : i32
        %get3A_433 = arith.constant 1 : i32
        %get3A_434 = arith.index_cast %get3A_433 : i32 to index
        %get3A_435 = arith.index_cast %add3A_432 : i32 to index
        %get3A_436 = arith.constant 0 : index
        %get3A_437 = tpu.vector_load %arg16[%get3A_434, %get3A_435, %get3A_436] {strides = array<i32>} : memref<2x400x64xf32, #tpu.memory_space<vmem>>, vector<16xf32>,
        %add3A_438 = arith.addf %scan3A_419, %get3A_437 : vector<16xf32>
        %get3A_439 = arith.constant 1 : i32
        %get3A_440 = arith.index_cast %get3A_439 : i32 to index
        %get3A_441 = arith.index_cast %add3A_432 : i32 to index
        %get3A_442 = arith.constant 16 : index
        %get3A_443 = tpu.vector_load %arg16[%get3A_440, %get3A_441, %get3A_442] {strides = array<i32>} : memref<2x400x64xf32, #tpu.memory_space<vmem>>, vector<16xf32>,
        %add3A_444 = arith.addf %scan3A_420, %get3A_443 : vector<16xf32>
        %get3A_445 = arith.constant 1 : i32
        %get3A_446 = arith.index_cast %get3A_445 : i32 to index
        %get3A_447 = arith.index_cast %add3A_432 : i32 to index
        %get3A_448 = arith.constant 32 : index
        %get3A_449 = tpu.vector_load %arg16[%get3A_446, %get3A_447, %get3A_448] {strides = array<i32>} : memref<2x400x64xf32, #tpu.memory_space<vmem>>, vector<16xf32>,
        %add3A_450 = arith.addf %scan3A_421, %get3A_449 : vector<16xf32>
        %get3A_451 = arith.constant 1 : i32
        %get3A_452 = arith.index_cast %get3A_451 : i32 to index
        %get3A_453 = arith.index_cast %add3A_432 : i32 to index
        %get3A_454 = arith.constant 48 : index
        %get3A_455 = tpu.vector_load %arg16[%get3A_452, %get3A_453, %get3A_454] {strides = array<i32>} : memref<2x400x64xf32, #tpu.memory_space<vmem>>, vector<16xf32>,
        %add3A_456 = arith.addf %scan3A_422, %get3A_455 : vector<16xf32>
        %mul3A_457 = arith.constant 8 : i32
        %mul3A_458 = arith.muli %scan3A_418, %mul3A_457 : i32
        %add3A_459 = arith.constant 0 : i32
        %add3A_460 = arith.addi %add3A_459, %mul3A_458 : i32
        %add3A_461 = arith.constant 1 : i32
        %add3A_462 = arith.addi %add3A_460, %add3A_461 : i32
        %get3A_463 = arith.constant 1 : i32
        %get3A_464 = arith.index_cast %get3A_463 : i32 to index
        %get3A_465 = arith.index_cast %add3A_462 : i32 to index
        %get3A_466 = arith.constant 0 : index
        %get3A_467 = tpu.vector_load %arg16[%get3A_464, %get3A_465, %get3A_466] {strides = array<i32>} : memref<2x400x64xf32, #tpu.memory_space<vmem>>, vector<16xf32>,
        %add3A_468 = arith.addf %scan3A_423, %get3A_467 : vector<16xf32>
        %get3A_469 = arith.constant 1 : i32
        %get3A_470 = arith.index_cast %get3A_469 : i32 to index
        %get3A_471 = arith.index_cast %add3A_462 : i32 to index
        %get3A_472 = arith.constant 16 : index
        %get3A_473 = tpu.vector_load %arg16[%get3A_470, %get3A_471, %get3A_472] {strides = array<i32>} : memref<2x400x64xf32, #tpu.memory_space<vmem>>, vector<16xf32>,
        %add3A_474 = arith.addf %scan3A_424, %get3A_473 : vector<16xf32>
        %get3A_475 = arith.constant 1 : i32
        %get3A_476 = arith.index_cast %get3A_475 : i32 to index
        %get3A_477 = arith.index_cast %add3A_462 : i32 to index
        %get3A_478 = arith.constant 32 : index
        %get3A_479 = tpu.vector_load %arg16[%get3A_476, %get3A_477, %get3A_478] {strides = array<i32>} : memref<2x400x64xf32, #tpu.memory_space<vmem>>, vector<16xf32>,
        %add3A_480 = arith.addf %scan3A_425, %get3A_479 : vector<16xf32>
        %get3A_481 = arith.constant 1 : i32
        %get3A_482 = arith.index_cast %get3A_481 : i32 to index
        %get3A_483 = arith.index_cast %add3A_462 : i32 to index
        %get3A_484 = arith.constant 48 : index
        %get3A_485 = tpu.vector_load %arg16[%get3A_482, %get3A_483, %get3A_484] {strides = array<i32>} : memref<2x400x64xf32, #tpu.memory_space<vmem>>, vector<16xf32>,
        %add3A_486 = arith.addf %scan3A_426, %get3A_485 : vector<16xf32>
        %mul3A_487 = arith.constant 8 : i32
        %mul3A_488 = arith.muli %scan3A_418, %mul3A_487 : i32
        %add3A_489 = arith.constant 0 : i32
        %add3A_490 = arith.addi %add3A_489, %mul3A_488 : i32
        %add3A_491 = arith.constant 2 : i32
        %add3A_492 = arith.addi %add3A_490, %add3A_491 : i32
        %get3A_493 = arith.constant 1 : i32
        %get3A_494 = arith.index_cast %get3A_493 : i32 to index
        %get3A_495 = arith.index_cast %add3A_492 : i32 to index
        %get3A_496 = arith.constant 0 : index
        %get3A_497 = tpu.vector_load %arg16[%get3A_494, %get3A_495, %get3A_496] {strides = array<i32>} : memref<2x400x64xf32, #tpu.memory_space<vmem>>, vector<16xf32>,
        %add3A_498 = arith.addf %add3A_438, %get3A_497 : vector<16xf32>
        %get3A_499 = arith.constant 1 : i32
        %get3A_500 = arith.index_cast %get3A_499 : i32 to index
        %get3A_501 = arith.index_cast %add3A_492 : i32 to index
        %get3A_502 = arith.constant 16 : index
        %get3A_503 = tpu.vector_load %arg16[%get3A_500, %get3A_501, %get3A_502] {strides = array<i32>} : memref<2x400x64xf32, #tpu.memory_space<vmem>>, vector<16xf32>,
        %add3A_504 = arith.addf %add3A_444, %get3A_503 : vector<16xf32>
        %get3A_505 = arith.constant 1 : i32
        %get3A_506 = arith.index_cast %get3A_505 : i32 to index
        %get3A_507 = arith.index_cast %add3A_492 : i32 to index
        %get3A_508 = arith.constant 32 : index
        %get3A_509 = tpu.vector_load %arg16[%get3A_506, %get3A_507, %get3A_508] {strides = array<i32>} : memref<2x400x64xf32, #tpu.memory_space<vmem>>, vector<16xf32>,
        %add3A_510 = arith.addf %add3A_450, %get3A_509 : vector<16xf32>
        %get3A_511 = arith.constant 1 : i32
        %get3A_512 = arith.index_cast %get3A_511 : i32 to index
        %get3A_513 = arith.index_cast %add3A_492 : i32 to index
        %get3A_514 = arith.constant 48 : index
        %get3A_515 = tpu.vector_load %arg16[%get3A_512, %get3A_513, %get3A_514] {strides = array<i32>} : memref<2x400x64xf32, #tpu.memory_space<vmem>>, vector<16xf32>,
        %add3A_516 = arith.addf %add3A_456, %get3A_515 : vector<16xf32>
        %mul3A_517 = arith.constant 8 : i32
        %mul3A_518 = arith.muli %scan3A_418, %mul3A_517 : i32
        %add3A_519 = arith.constant 0 : i32
        %add3A_520 = arith.addi %add3A_519, %mul3A_518 : i32
        %add3A_521 = arith.constant 3 : i32
        %add3A_522 = arith.addi %add3A_520, %add3A_521 : i32
        %get3A_523 = arith.constant 1 : i32
        %get3A_524 = arith.index_cast %get3A_523 : i32 to index
        %get3A_525 = arith.index_cast %add3A_522 : i32 to index
        %get3A_526 = arith.constant 0 : index
        %get3A_527 = tpu.vector_load %arg16[%get3A_524, %get3A_525, %get3A_526] {strides = array<i32>} : memref<2x400x64xf32, #tpu.memory_space<vmem>>, vector<16xf32>,
        %add3A_528 = arith.addf %add3A_468, %get3A_527 : vector<16xf32>
        %get3A_529 = arith.constant 1 : i32
        %get3A_530 = arith.index_cast %get3A_529 : i32 to index
        %get3A_531 = arith.index_cast %add3A_522 : i32 to index
        %get3A_532 = arith.constant 16 : index
        %get3A_533 = tpu.vector_load %arg16[%get3A_530, %get3A_531, %get3A_532] {strides = array<i32>} : memref<2x400x64xf32, #tpu.memory_space<vmem>>, vector<16xf32>,
        %add3A_534 = arith.addf %add3A_474, %get3A_533 : vector<16xf32>
        %get3A_535 = arith.constant 1 : i32
        %get3A_536 = arith.index_cast %get3A_535 : i32 to index
        %get3A_537 = arith.index_cast %add3A_522 : i32 to index
        %get3A_538 = arith.constant 32 : index
        %get3A_539 = tpu.vector_load %arg16[%get3A_536, %get3A_537, %get3A_538] {strides = array<i32>} : memref<2x400x64xf32, #tpu.memory_space<vmem>>, vector<16xf32>,
        %add3A_540 = arith.addf %add3A_480, %get3A_539 : vector<16xf32>
        %get3A_541 = arith.constant 1 : i32
        %get3A_542 = arith.index_cast %get3A_541 : i32 to index
        %get3A_543 = arith.index_cast %add3A_522 : i32 to index
        %get3A_544 = arith.constant 48 : index
        %get3A_545 = tpu.vector_load %arg16[%get3A_542, %get3A_543, %get3A_544] {strides = array<i32>} : memref<2x400x64xf32, #tpu.memory_space<vmem>>, vector<16xf32>,
        %add3A_546 = arith.addf %add3A_486, %get3A_545 : vector<16xf32>
        %mul3A_547 = arith.constant 8 : i32
        %mul3A_548 = arith.muli %scan3A_418, %mul3A_547 : i32
        %add3A_549 = arith.constant 0 : i32
        %add3A_550 = arith.addi %add3A_549, %mul3A_548 : i32
        %add3A_551 = arith.constant 4 : i32
        %add3A_552 = arith.addi %add3A_550, %add3A_551 : i32
        %get3A_553 = arith.constant 1 : i32
        %get3A_554 = arith.index_cast %get3A_553 : i32 to index
        %get3A_555 = arith.index_cast %add3A_552 : i32 to index
        %get3A_556 = arith.constant 0 : index
        %get3A_557 = tpu.vector_load %arg16[%get3A_554, %get3A_555, %get3A_556] {strides = array<i32>} : memref<2x400x64xf32, #tpu.memory_space<vmem>>, vector<16xf32>,
        %add3A_558 = arith.addf %add3A_498, %get3A_557 : vector<16xf32>
        %get3A_559 = arith.constant 1 : i32
        %get3A_560 = arith.index_cast %get3A_559 : i32 to index
        %get3A_561 = arith.index_cast %add3A_552 : i32 to index
        %get3A_562 = arith.constant 16 : index
        %get3A_563 = tpu.vector_load %arg16[%get3A_560, %get3A_561, %get3A_562] {strides = array<i32>} : memref<2x400x64xf32, #tpu.memory_space<vmem>>, vector<16xf32>,
        %add3A_564 = arith.addf %add3A_504, %get3A_563 : vector<16xf32>
        %get3A_565 = arith.constant 1 : i32
        %get3A_566 = arith.index_cast %get3A_565 : i32 to index
        %get3A_567 = arith.index_cast %add3A_552 : i32 to index
        %get3A_568 = arith.constant 32 : index
        %get3A_569 = tpu.vector_load %arg16[%get3A_566, %get3A_567, %get3A_568] {strides = array<i32>} : memref<2x400x64xf32, #tpu.memory_space<vmem>>, vector<16xf32>,
        %add3A_570 = arith.addf %add3A_510, %get3A_569 : vector<16xf32>
        %get3A_571 = arith.constant 1 : i32
        %get3A_572 = arith.index_cast %get3A_571 : i32 to index
        %get3A_573 = arith.index_cast %add3A_552 : i32 to index
        %get3A_574 = arith.constant 48 : index
        %get3A_575 = tpu.vector_load %arg16[%get3A_572, %get3A_573, %get3A_574] {strides = array<i32>} : memref<2x400x64xf32, #tpu.memory_space<vmem>>, vector<16xf32>,
        %add3A_576 = arith.addf %add3A_516, %get3A_575 : vector<16xf32>
        %mul3A_577 = arith.constant 8 : i32
        %mul3A_578 = arith.muli %scan3A_418, %mul3A_577 : i32
        %add3A_579 = arith.constant 0 : i32
        %add3A_580 = arith.addi %add3A_579, %mul3A_578 : i32
        %add3A_581 = arith.constant 5 : i32
        %add3A_582 = arith.addi %add3A_580, %add3A_581 : i32
        %get3A_583 = arith.constant 1 : i32
        %get3A_584 = arith.index_cast %get3A_583 : i32 to index
        %get3A_585 = arith.index_cast %add3A_582 : i32 to index
        %get3A_586 = arith.constant 0 : index
        %get3A_587 = tpu.vector_load %arg16[%get3A_584, %get3A_585, %get3A_586] {strides = array<i32>} : memref<2x400x64xf32, #tpu.memory_space<vmem>>, vector<16xf32>,
        %add3A_588 = arith.addf %add3A_528, %get3A_587 : vector<16xf32>
        %get3A_589 = arith.constant 1 : i32
        %get3A_590 = arith.index_cast %get3A_589 : i32 to index
        %get3A_591 = arith.index_cast %add3A_582 : i32 to index
        %get3A_592 = arith.constant 16 : index
        %get3A_593 = tpu.vector_load %arg16[%get3A_590, %get3A_591, %get3A_592] {strides = array<i32>} : memref<2x400x64xf32, #tpu.memory_space<vmem>>, vector<16xf32>,
        %add3A_594 = arith.addf %add3A_534, %get3A_593 : vector<16xf32>
        %get3A_595 = arith.constant 1 : i32
        %get3A_596 = arith.index_cast %get3A_595 : i32 to index
        %get3A_597 = arith.index_cast %add3A_582 : i32 to index
        %get3A_598 = arith.constant 32 : index
        %get3A_599 = tpu.vector_load %arg16[%get3A_596, %get3A_597, %get3A_598] {strides = array<i32>} : memref<2x400x64xf32, #tpu.memory_space<vmem>>, vector<16xf32>,
        %add3A_600 = arith.addf %add3A_540, %get3A_599 : vector<16xf32>
        %get3A_601 = arith.constant 1 : i32
        %get3A_602 = arith.index_cast %get3A_601 : i32 to index
        %get3A_603 = arith.index_cast %add3A_582 : i32 to index
        %get3A_604 = arith.constant 48 : index
        %get3A_605 = tpu.vector_load %arg16[%get3A_602, %get3A_603, %get3A_604] {strides = array<i32>} : memref<2x400x64xf32, #tpu.memory_space<vmem>>, vector<16xf32>,
        %add3A_606 = arith.addf %add3A_546, %get3A_605 : vector<16xf32>
        %mul3A_607 = arith.constant 8 : i32
        %mul3A_608 = arith.muli %scan3A_418, %mul3A_607 : i32
        %add3A_609 = arith.constant 0 : i32
        %add3A_610 = arith.addi %add3A_609, %mul3A_608 : i32
        %add3A_611 = arith.constant 6 : i32
        %add3A_612 = arith.addi %add3A_610, %add3A_611 : i32
        %get3A_613 = arith.constant 1 : i32
        %get3A_614 = arith.index_cast %get3A_613 : i32 to index
        %get3A_615 = arith.index_cast %add3A_612 : i32 to index
        %get3A_616 = arith.constant 0 : index
        %get3A_617 = tpu.vector_load %arg16[%get3A_614, %get3A_615, %get3A_616] {strides = array<i32>} : memref<2x400x64xf32, #tpu.memory_space<vmem>>, vector<16xf32>,
        %add3A_618 = arith.addf %add3A_558, %get3A_617 : vector<16xf32>
        %get3A_619 = arith.constant 1 : i32
        %get3A_620 = arith.index_cast %get3A_619 : i32 to index
        %get3A_621 = arith.index_cast %add3A_612 : i32 to index
        %get3A_622 = arith.constant 16 : index
        %get3A_623 = tpu.vector_load %arg16[%get3A_620, %get3A_621, %get3A_622] {strides = array<i32>} : memref<2x400x64xf32, #tpu.memory_space<vmem>>, vector<16xf32>,
        %add3A_624 = arith.addf %add3A_564, %get3A_623 : vector<16xf32>
        %get3A_625 = arith.constant 1 : i32
        %get3A_626 = arith.index_cast %get3A_625 : i32 to index
        %get3A_627 = arith.index_cast %add3A_612 : i32 to index
        %get3A_628 = arith.constant 32 : index
        %get3A_629 = tpu.vector_load %arg16[%get3A_626, %get3A_627, %get3A_628] {strides = array<i32>} : memref<2x400x64xf32, #tpu.memory_space<vmem>>, vector<16xf32>,
        %add3A_630 = arith.addf %add3A_570, %get3A_629 : vector<16xf32>
        %get3A_631 = arith.constant 1 : i32
        %get3A_632 = arith.index_cast %get3A_631 : i32 to index
        %get3A_633 = arith.index_cast %add3A_612 : i32 to index
        %get3A_634 = arith.constant 48 : index
        %get3A_635 = tpu.vector_load %arg16[%get3A_632, %get3A_633, %get3A_634] {strides = array<i32>} : memref<2x400x64xf32, #tpu.memory_space<vmem>>, vector<16xf32>,
        %add3A_636 = arith.addf %add3A_576, %get3A_635 : vector<16xf32>
        %mul3A_637 = arith.constant 8 : i32
        %mul3A_638 = arith.muli %scan3A_418, %mul3A_637 : i32
        %add3A_639 = arith.constant 0 : i32
        %add3A_640 = arith.addi %add3A_639, %mul3A_638 : i32
        %add3A_641 = arith.constant 7 : i32
        %add3A_642 = arith.addi %add3A_640, %add3A_641 : i32
        %get3A_643 = arith.constant 1 : i32
        %get3A_644 = arith.index_cast %get3A_643 : i32 to index
        %get3A_645 = arith.index_cast %add3A_642 : i32 to index
        %get3A_646 = arith.constant 0 : index
        %get3A_647 = tpu.vector_load %arg16[%get3A_644, %get3A_645, %get3A_646] {strides = array<i32>} : memref<2x400x64xf32, #tpu.memory_space<vmem>>, vector<16xf32>,
        %add3A_648 = arith.addf %add3A_588, %get3A_647 : vector<16xf32>
        %get3A_649 = arith.constant 1 : i32
        %get3A_650 = arith.index_cast %get3A_649 : i32 to index
        %get3A_651 = arith.index_cast %add3A_642 : i32 to index
        %get3A_652 = arith.constant 16 : index
        %get3A_653 = tpu.vector_load %arg16[%get3A_650, %get3A_651, %get3A_652] {strides = array<i32>} : memref<2x400x64xf32, #tpu.memory_space<vmem>>, vector<16xf32>,
        %add3A_654 = arith.addf %add3A_594, %get3A_653 : vector<16xf32>
        %get3A_655 = arith.constant 1 : i32
        %get3A_656 = arith.index_cast %get3A_655 : i32 to index
        %get3A_657 = arith.index_cast %add3A_642 : i32 to index
        %get3A_658 = arith.constant 32 : index
        %get3A_659 = tpu.vector_load %arg16[%get3A_656, %get3A_657, %get3A_658] {strides = array<i32>} : memref<2x400x64xf32, #tpu.memory_space<vmem>>, vector<16xf32>,
        %add3A_660 = arith.addf %add3A_600, %get3A_659 : vector<16xf32>
        %get3A_661 = arith.constant 1 : i32
        %get3A_662 = arith.index_cast %get3A_661 : i32 to index
        %get3A_663 = arith.index_cast %add3A_642 : i32 to index
        %get3A_664 = arith.constant 48 : index
        %get3A_665 = tpu.vector_load %arg16[%get3A_662, %get3A_663, %get3A_664] {strides = array<i32>} : memref<2x400x64xf32, #tpu.memory_space<vmem>>, vector<16xf32>,
        %add3A_666 = arith.addf %add3A_606, %get3A_665 : vector<16xf32>
        scf.yield %add3A_618, %add3A_624, %add3A_630, %add3A_636, %add3A_648, %add3A_654, %add3A_660, %add3A_666 : vector<16xf32>, vector<16xf32>, vector<16xf32>, vector<16xf32>, vector<16xf32>, vector<16xf32>, vector<16xf32>, vector<16xf32>
      }
      %scan3A_292 = arith.constant 25 : i32
      %add3A_293 = arith.addf %scan3A_291#0, %scan3A_291#4 : vector<16xf32>
      %add3A_294 = arith.addf %scan3A_291#1, %scan3A_291#5 : vector<16xf32>
      %add3A_295 = arith.addf %scan3A_291#2, %scan3A_291#6 : vector<16xf32>
      %add3A_296 = arith.addf %scan3A_291#3, %scan3A_291#7 : vector<16xf32>
      %add3A_297 = arith.constant 2 : i32
      %add3A_298 = arith.addi %add3A_271, %add3A_297 : i32
      %lt3A_299 = arith.constant 128 : i32
      %lt3A_300 = arith.cmpi slt, %add3A_298, %lt3A_299 : i32
      %convert_element_type3A_301 = arith.extui %lt3A_300 : i1 to i32
      %cond3A_302 = arith.constant 0 : i32
      %cond3A_303 = arith.cmpi ne, %convert_element_type3A_301, %cond3A_302 : i32
      scf.if %cond3A_303 {
        %add3A_418 = arith.constant 2 : i32
        %add3A_419 = arith.addi %add3A_271, %add3A_418 : i32
        %dma_start3A_420 = arith.constant 1 : i32
        %dma_start3A_421 = arith.constant 0 : i32
        %dma_start3A_422 = arith.constant 0 : i32
        %dma_start3A_423 = tpu.memref_slice %arg16[%dma_start3A_420, %dma_start3A_421, %dma_start3A_422] : memref<2x400x64xf32, #tpu.memory_space<vmem>> -> memref<1x128x64xf32, #tpu.memory_space<vmem>>
        %dma_start3A_424 = tpu.memref_squeeze %dma_start3A_423 : memref<1x128x64xf32, #tpu.memory_space<vmem>> -> memref<128x64xf32, #tpu.memory_space<vmem>>
        %dma_start3A_425 = arith.constant 0 : i32
        %dma_start3A_426 = tpu.memref_slice %arg10[%add3A_419, %dma_start3A_425] : memref<128x200xi32, #tpu.memory_space<vmem>> -> memref<1x128xi32, #tpu.memory_space<vmem>>
        %dma_start3A_427 = tpu.memref_squeeze %dma_start3A_426 : memref<1x128xi32, #tpu.memory_space<vmem>> -> memref<128xi32, #tpu.memory_space<vmem>>
        %dma_start3A_428 = arith.constant 0 : i32
        %dma_start3A_429 = arith.constant 0 : i32
        %dma_start3A_430 = tpu.memref_slice %arg6[%dma_start3A_428, %dma_start3A_429] : memref<1000000x64xf32, #tpu.memory_space<hbm>> -> memref<1000000x64xf32, #tpu.memory_space<hbm>>
        tpu.enqueue_indirect_dma source(%dma_start3A_430 : memref<1000000x64xf32, #tpu.memory_space<hbm>>) target(%dma_start3A_424 : memref<128x64xf32, #tpu.memory_space<vmem>>) offsets(%dma_start3A_427 : memref<128xi32, #tpu.memory_space<vmem>>) semaphore(%arg19 : memref<!tpu.dma_semaphore, #tpu.memory_space<semaphore_mem>>)
        %dma_start3A_431 = arith.constant 1 : i32
        %dma_start3A_432 = arith.constant 128 : i32
        %dma_start3A_433 = arith.constant 0 : i32
        %dma_start3A_434 = tpu.memref_slice %arg16[%dma_start3A_431, %dma_start3A_432, %dma_start3A_433] : memref<2x400x64xf32, #tpu.memory_space<vmem>> -> memref<1x72x64xf32, #tpu.memory_space<vmem>>
        %dma_start3A_435 = tpu.memref_squeeze %dma_start3A_434 : memref<1x72x64xf32, #tpu.memory_space<vmem>> -> memref<72x64xf32, #tpu.memory_space<vmem>>
        %dma_start3A_436 = arith.constant 128 : i32
        %dma_start3A_437 = tpu.memref_slice %arg10[%add3A_419, %dma_start3A_436] : memref<128x200xi32, #tpu.memory_space<vmem>> -> memref<1x72xi32, #tpu.memory_space<vmem>>
        %dma_start3A_438 = tpu.memref_squeeze %dma_start3A_437 : memref<1x72xi32, #tpu.memory_space<vmem>> -> memref<72xi32, #tpu.memory_space<vmem>>
        %dma_start3A_439 = arith.constant 0 : i32
        %dma_start3A_440 = arith.constant 0 : i32
        %dma_start3A_441 = tpu.memref_slice %arg6[%dma_start3A_439, %dma_start3A_440] : memref<1000000x64xf32, #tpu.memory_space<hbm>> -> memref<1000000x64xf32, #tpu.memory_space<hbm>>
        tpu.enqueue_indirect_dma source(%dma_start3A_441 : memref<1000000x64xf32, #tpu.memory_space<hbm>>) target(%dma_start3A_435 : memref<72x64xf32, #tpu.memory_space<vmem>>) offsets(%dma_start3A_438 : memref<72xi32, #tpu.memory_space<vmem>>) semaphore(%arg19 : memref<!tpu.dma_semaphore, #tpu.memory_space<semaphore_mem>>)
      } else {
      }
      %dma_wait3A_304 = arith.constant 1 : i32
      %dma_wait3A_305 = arith.constant 200 : i32
      %dma_wait3A_306 = arith.constant 0 : i32
      %dma_wait3A_307 = tpu.memref_slice %arg16[%dma_wait3A_304, %dma_wait3A_305, %dma_wait3A_306] : memref<2x400x64xf32, #tpu.memory_space<vmem>> -> memref<1x200x64xf32, #tpu.memory_space<vmem>>
      %dma_wait3A_308 = tpu.memref_squeeze %dma_wait3A_307 : memref<1x200x64xf32, #tpu.memory_space<vmem>> -> memref<200x64xf32, #tpu.memory_space<vmem>>
      %dma_wait3A_309 = arith.constant 0 : i32
      %dma_wait3A_310 = arith.constant 0 : i32
      %dma_wait3A_311 = tpu.memref_slice %arg6[%dma_wait3A_309, %dma_wait3A_310] : memref<1000000x64xf32, #tpu.memory_space<hbm>> -> memref<200x64xf32, #tpu.memory_space<hbm>>
      %dma_wait3A_312 = arith.constant 200 : i32
      %dma_wait3A_313 = arith.constant 0 : i32
      %dma_wait3A_314 = tpu.memref_slice %arg16[%dma_wait3A_304, %dma_wait3A_312, %dma_wait3A_313] : memref<2x400x64xf32, #tpu.memory_space<vmem>> -> memref<1x200x64xf32, #tpu.memory_space<vmem>>
      %dma_wait3A_315 = tpu.memref_squeeze %dma_wait3A_314 : memref<1x200x64xf32, #tpu.memory_space<vmem>> -> memref<200x64xf32, #tpu.memory_space<vmem>>
      %dma_wait3A_316 = arith.constant 0 : i32
      %dma_wait3A_317 = arith.constant 0 : i32
      %dma_wait3A_318 = tpu.memref_slice %arg6[%dma_wait3A_316, %dma_wait3A_317] : memref<1000000x64xf32, #tpu.memory_space<hbm>> -> memref<200x64xf32, #tpu.memory_space<hbm>>
      tpu.wait_dma2 semaphore(%arg21 : memref<!tpu.dma_semaphore, #tpu.memory_space<semaphore_mem>>) src(%dma_wait3A_318 : memref<200x64xf32, #tpu.memory_space<hbm>>) dst(%dma_wait3A_315 : memref<200x64xf32, #tpu.memory_space<vmem>>)
      %scan3A_319 = arith.constant 0 : i32
      %scan3A_320 = arith.constant 25 : i32
      %scan3A_321 = arith.addi %scan3A_319, %scan3A_320 : i32
      %scan3A_322 = arith.constant 1 : i32
      %scan3A_323:8 = scf.for %scan3A_418 = %scan3A_319 to %scan3A_321 step %scan3A_322 iter_args(%scan3A_419 = %broadcast_in_dim3A_28, %scan3A_420 = %broadcast_in_dim3A_28, %scan3A_421 = %broadcast_in_dim3A_28, %scan3A_422 = %broadcast_in_dim3A_28, %scan3A_423 = %broadcast_in_dim3A_28, %scan3A_424 = %broadcast_in_dim3A_28, %scan3A_425 = %broadcast_in_dim3A_28, %scan3A_426 = %broadcast_in_dim3A_28) -> (vector<16xf32>, vector<16xf32>, vector<16xf32>, vector<16xf32>, vector<16xf32>, vector<16xf32>, vector<16xf32>, vector<16xf32>)  : i32 {
        %mul3A_427 = arith.constant 8 : i32
        %mul3A_428 = arith.muli %scan3A_418, %mul3A_427 : i32
        %add3A_429 = arith.constant 200 : i32
        %add3A_430 = arith.addi %add3A_429, %mul3A_428 : i32
        %add3A_431 = arith.constant 0 : i32
        %add3A_432 = arith.addi %add3A_430, %add3A_431 : i32
        %get3A_433 = arith.constant 1 : i32
        %get3A_434 = arith.index_cast %get3A_433 : i32 to index
        %get3A_435 = arith.index_cast %add3A_432 : i32 to index
        %get3A_436 = arith.constant 0 : index
        %get3A_437 = tpu.vector_load %arg16[%get3A_434, %get3A_435, %get3A_436] {strides = array<i32>} : memref<2x400x64xf32, #tpu.memory_space<vmem>>, vector<16xf32>,
        %add3A_438 = arith.addf %scan3A_419, %get3A_437 : vector<16xf32>
        %get3A_439 = arith.constant 1 : i32
        %get3A_440 = arith.index_cast %get3A_439 : i32 to index
        %get3A_441 = arith.index_cast %add3A_432 : i32 to index
        %get3A_442 = arith.constant 16 : index
        %get3A_443 = tpu.vector_load %arg16[%get3A_440, %get3A_441, %get3A_442] {strides = array<i32>} : memref<2x400x64xf32, #tpu.memory_space<vmem>>, vector<16xf32>,
        %add3A_444 = arith.addf %scan3A_420, %get3A_443 : vector<16xf32>
        %get3A_445 = arith.constant 1 : i32
        %get3A_446 = arith.index_cast %get3A_445 : i32 to index
        %get3A_447 = arith.index_cast %add3A_432 : i32 to index
        %get3A_448 = arith.constant 32 : index
        %get3A_449 = tpu.vector_load %arg16[%get3A_446, %get3A_447, %get3A_448] {strides = array<i32>} : memref<2x400x64xf32, #tpu.memory_space<vmem>>, vector<16xf32>,
        %add3A_450 = arith.addf %scan3A_421, %get3A_449 : vector<16xf32>
        %get3A_451 = arith.constant 1 : i32
        %get3A_452 = arith.index_cast %get3A_451 : i32 to index
        %get3A_453 = arith.index_cast %add3A_432 : i32 to index
        %get3A_454 = arith.constant 48 : index
        %get3A_455 = tpu.vector_load %arg16[%get3A_452, %get3A_453, %get3A_454] {strides = array<i32>} : memref<2x400x64xf32, #tpu.memory_space<vmem>>, vector<16xf32>,
        %add3A_456 = arith.addf %scan3A_422, %get3A_455 : vector<16xf32>
        %mul3A_457 = arith.constant 8 : i32
        %mul3A_458 = arith.muli %scan3A_418, %mul3A_457 : i32
        %add3A_459 = arith.constant 200 : i32
        %add3A_460 = arith.addi %add3A_459, %mul3A_458 : i32
        %add3A_461 = arith.constant 1 : i32
        %add3A_462 = arith.addi %add3A_460, %add3A_461 : i32
        %get3A_463 = arith.constant 1 : i32
        %get3A_464 = arith.index_cast %get3A_463 : i32 to index
        %get3A_465 = arith.index_cast %add3A_462 : i32 to index
        %get3A_466 = arith.constant 0 : index
        %get3A_467 = tpu.vector_load %arg16[%get3A_464, %get3A_465, %get3A_466] {strides = array<i32>} : memref<2x400x64xf32, #tpu.memory_space<vmem>>, vector<16xf32>,
        %add3A_468 = arith.addf %scan3A_423, %get3A_467 : vector<16xf32>
        %get3A_469 = arith.constant 1 : i32
        %get3A_470 = arith.index_cast %get3A_469 : i32 to index
        %get3A_471 = arith.index_cast %add3A_462 : i32 to index
        %get3A_472 = arith.constant 16 : index
        %get3A_473 = tpu.vector_load %arg16[%get3A_470, %get3A_471, %get3A_472] {strides = array<i32>} : memref<2x400x64xf32, #tpu.memory_space<vmem>>, vector<16xf32>,
        %add3A_474 = arith.addf %scan3A_424, %get3A_473 : vector<16xf32>
        %get3A_475 = arith.constant 1 : i32
        %get3A_476 = arith.index_cast %get3A_475 : i32 to index
        %get3A_477 = arith.index_cast %add3A_462 : i32 to index
        %get3A_478 = arith.constant 32 : index
        %get3A_479 = tpu.vector_load %arg16[%get3A_476, %get3A_477, %get3A_478] {strides = array<i32>} : memref<2x400x64xf32, #tpu.memory_space<vmem>>, vector<16xf32>,
        %add3A_480 = arith.addf %scan3A_425, %get3A_479 : vector<16xf32>
        %get3A_481 = arith.constant 1 : i32
        %get3A_482 = arith.index_cast %get3A_481 : i32 to index
        %get3A_483 = arith.index_cast %add3A_462 : i32 to index
        %get3A_484 = arith.constant 48 : index
        %get3A_485 = tpu.vector_load %arg16[%get3A_482, %get3A_483, %get3A_484] {strides = array<i32>} : memref<2x400x64xf32, #tpu.memory_space<vmem>>, vector<16xf32>,
        %add3A_486 = arith.addf %scan3A_426, %get3A_485 : vector<16xf32>
        %mul3A_487 = arith.constant 8 : i32
        %mul3A_488 = arith.muli %scan3A_418, %mul3A_487 : i32
        %add3A_489 = arith.constant 200 : i32
        %add3A_490 = arith.addi %add3A_489, %mul3A_488 : i32
        %add3A_491 = arith.constant 2 : i32
        %add3A_492 = arith.addi %add3A_490, %add3A_491 : i32
        %get3A_493 = arith.constant 1 : i32
        %get3A_494 = arith.index_cast %get3A_493 : i32 to index
        %get3A_495 = arith.index_cast %add3A_492 : i32 to index
        %get3A_496 = arith.constant 0 : index
        %get3A_497 = tpu.vector_load %arg16[%get3A_494, %get3A_495, %get3A_496] {strides = array<i32>} : memref<2x400x64xf32, #tpu.memory_space<vmem>>, vector<16xf32>,
        %add3A_498 = arith.addf %add3A_438, %get3A_497 : vector<16xf32>
        %get3A_499 = arith.constant 1 : i32
        %get3A_500 = arith.index_cast %get3A_499 : i32 to index
        %get3A_501 = arith.index_cast %add3A_492 : i32 to index
        %get3A_502 = arith.constant 16 : index
        %get3A_503 = tpu.vector_load %arg16[%get3A_500, %get3A_501, %get3A_502] {strides = array<i32>} : memref<2x400x64xf32, #tpu.memory_space<vmem>>, vector<16xf32>,
        %add3A_504 = arith.addf %add3A_444, %get3A_503 : vector<16xf32>
        %get3A_505 = arith.constant 1 : i32
        %get3A_506 = arith.index_cast %get3A_505 : i32 to index
        %get3A_507 = arith.index_cast %add3A_492 : i32 to index
        %get3A_508 = arith.constant 32 : index
        %get3A_509 = tpu.vector_load %arg16[%get3A_506, %get3A_507, %get3A_508] {strides = array<i32>} : memref<2x400x64xf32, #tpu.memory_space<vmem>>, vector<16xf32>,
        %add3A_510 = arith.addf %add3A_450, %get3A_509 : vector<16xf32>
        %get3A_511 = arith.constant 1 : i32
        %get3A_512 = arith.index_cast %get3A_511 : i32 to index
        %get3A_513 = arith.index_cast %add3A_492 : i32 to index
        %get3A_514 = arith.constant 48 : index
        %get3A_515 = tpu.vector_load %arg16[%get3A_512, %get3A_513, %get3A_514] {strides = array<i32>} : memref<2x400x64xf32, #tpu.memory_space<vmem>>, vector<16xf32>,
        %add3A_516 = arith.addf %add3A_456, %get3A_515 : vector<16xf32>
        %mul3A_517 = arith.constant 8 : i32
        %mul3A_518 = arith.muli %scan3A_418, %mul3A_517 : i32
        %add3A_519 = arith.constant 200 : i32
        %add3A_520 = arith.addi %add3A_519, %mul3A_518 : i32
        %add3A_521 = arith.constant 3 : i32
        %add3A_522 = arith.addi %add3A_520, %add3A_521 : i32
        %get3A_523 = arith.constant 1 : i32
        %get3A_524 = arith.index_cast %get3A_523 : i32 to index
        %get3A_525 = arith.index_cast %add3A_522 : i32 to index
        %get3A_526 = arith.constant 0 : index
        %get3A_527 = tpu.vector_load %arg16[%get3A_524, %get3A_525, %get3A_526] {strides = array<i32>} : memref<2x400x64xf32, #tpu.memory_space<vmem>>, vector<16xf32>,
        %add3A_528 = arith.addf %add3A_468, %get3A_527 : vector<16xf32>
        %get3A_529 = arith.constant 1 : i32
        %get3A_530 = arith.index_cast %get3A_529 : i32 to index
        %get3A_531 = arith.index_cast %add3A_522 : i32 to index
        %get3A_532 = arith.constant 16 : index
        %get3A_533 = tpu.vector_load %arg16[%get3A_530, %get3A_531, %get3A_532] {strides = array<i32>} : memref<2x400x64xf32, #tpu.memory_space<vmem>>, vector<16xf32>,
        %add3A_534 = arith.addf %add3A_474, %get3A_533 : vector<16xf32>
        %get3A_535 = arith.constant 1 : i32
        %get3A_536 = arith.index_cast %get3A_535 : i32 to index
        %get3A_537 = arith.index_cast %add3A_522 : i32 to index
        %get3A_538 = arith.constant 32 : index
        %get3A_539 = tpu.vector_load %arg16[%get3A_536, %get3A_537, %get3A_538] {strides = array<i32>} : memref<2x400x64xf32, #tpu.memory_space<vmem>>, vector<16xf32>,
        %add3A_540 = arith.addf %add3A_480, %get3A_539 : vector<16xf32>
        %get3A_541 = arith.constant 1 : i32
        %get3A_542 = arith.index_cast %get3A_541 : i32 to index
        %get3A_543 = arith.index_cast %add3A_522 : i32 to index
        %get3A_544 = arith.constant 48 : index
        %get3A_545 = tpu.vector_load %arg16[%get3A_542, %get3A_543, %get3A_544] {strides = array<i32>} : memref<2x400x64xf32, #tpu.memory_space<vmem>>, vector<16xf32>,
        %add3A_546 = arith.addf %add3A_486, %get3A_545 : vector<16xf32>
        %mul3A_547 = arith.constant 8 : i32
        %mul3A_548 = arith.muli %scan3A_418, %mul3A_547 : i32
        %add3A_549 = arith.constant 200 : i32
        %add3A_550 = arith.addi %add3A_549, %mul3A_548 : i32
        %add3A_551 = arith.constant 4 : i32
        %add3A_552 = arith.addi %add3A_550, %add3A_551 : i32
        %get3A_553 = arith.constant 1 : i32
        %get3A_554 = arith.index_cast %get3A_553 : i32 to index
        %get3A_555 = arith.index_cast %add3A_552 : i32 to index
        %get3A_556 = arith.constant 0 : index
        %get3A_557 = tpu.vector_load %arg16[%get3A_554, %get3A_555, %get3A_556] {strides = array<i32>} : memref<2x400x64xf32, #tpu.memory_space<vmem>>, vector<16xf32>,
        %add3A_558 = arith.addf %add3A_498, %get3A_557 : vector<16xf32>
        %get3A_559 = arith.constant 1 : i32
        %get3A_560 = arith.index_cast %get3A_559 : i32 to index
        %get3A_561 = arith.index_cast %add3A_552 : i32 to index
        %get3A_562 = arith.constant 16 : index
        %get3A_563 = tpu.vector_load %arg16[%get3A_560, %get3A_561, %get3A_562] {strides = array<i32>} : memref<2x400x64xf32, #tpu.memory_space<vmem>>, vector<16xf32>,
        %add3A_564 = arith.addf %add3A_504, %get3A_563 : vector<16xf32>
        %get3A_565 = arith.constant 1 : i32
        %get3A_566 = arith.index_cast %get3A_565 : i32 to index
        %get3A_567 = arith.index_cast %add3A_552 : i32 to index
        %get3A_568 = arith.constant 32 : index
        %get3A_569 = tpu.vector_load %arg16[%get3A_566, %get3A_567, %get3A_568] {strides = array<i32>} : memref<2x400x64xf32, #tpu.memory_space<vmem>>, vector<16xf32>,
        %add3A_570 = arith.addf %add3A_510, %get3A_569 : vector<16xf32>
        %get3A_571 = arith.constant 1 : i32
        %get3A_572 = arith.index_cast %get3A_571 : i32 to index
        %get3A_573 = arith.index_cast %add3A_552 : i32 to index
        %get3A_574 = arith.constant 48 : index
        %get3A_575 = tpu.vector_load %arg16[%get3A_572, %get3A_573, %get3A_574] {strides = array<i32>} : memref<2x400x64xf32, #tpu.memory_space<vmem>>, vector<16xf32>,
        %add3A_576 = arith.addf %add3A_516, %get3A_575 : vector<16xf32>
        %mul3A_577 = arith.constant 8 : i32
        %mul3A_578 = arith.muli %scan3A_418, %mul3A_577 : i32
        %add3A_579 = arith.constant 200 : i32
        %add3A_580 = arith.addi %add3A_579, %mul3A_578 : i32
        %add3A_581 = arith.constant 5 : i32
        %add3A_582 = arith.addi %add3A_580, %add3A_581 : i32
        %get3A_583 = arith.constant 1 : i32
        %get3A_584 = arith.index_cast %get3A_583 : i32 to index
        %get3A_585 = arith.index_cast %add3A_582 : i32 to index
        %get3A_586 = arith.constant 0 : index
        %get3A_587 = tpu.vector_load %arg16[%get3A_584, %get3A_585, %get3A_586] {strides = array<i32>} : memref<2x400x64xf32, #tpu.memory_space<vmem>>, vector<16xf32>,
        %add3A_588 = arith.addf %add3A_528, %get3A_587 : vector<16xf32>
        %get3A_589 = arith.constant 1 : i32
        %get3A_590 = arith.index_cast %get3A_589 : i32 to index
        %get3A_591 = arith.index_cast %add3A_582 : i32 to index
        %get3A_592 = arith.constant 16 : index
        %get3A_593 = tpu.vector_load %arg16[%get3A_590, %get3A_591, %get3A_592] {strides = array<i32>} : memref<2x400x64xf32, #tpu.memory_space<vmem>>, vector<16xf32>,
        %add3A_594 = arith.addf %add3A_534, %get3A_593 : vector<16xf32>
        %get3A_595 = arith.constant 1 : i32
        %get3A_596 = arith.index_cast %get3A_595 : i32 to index
        %get3A_597 = arith.index_cast %add3A_582 : i32 to index
        %get3A_598 = arith.constant 32 : index
        %get3A_599 = tpu.vector_load %arg16[%get3A_596, %get3A_597, %get3A_598] {strides = array<i32>} : memref<2x400x64xf32, #tpu.memory_space<vmem>>, vector<16xf32>,
        %add3A_600 = arith.addf %add3A_540, %get3A_599 : vector<16xf32>
        %get3A_601 = arith.constant 1 : i32
        %get3A_602 = arith.index_cast %get3A_601 : i32 to index
        %get3A_603 = arith.index_cast %add3A_582 : i32 to index
        %get3A_604 = arith.constant 48 : index
        %get3A_605 = tpu.vector_load %arg16[%get3A_602, %get3A_603, %get3A_604] {strides = array<i32>} : memref<2x400x64xf32, #tpu.memory_space<vmem>>, vector<16xf32>,
        %add3A_606 = arith.addf %add3A_546, %get3A_605 : vector<16xf32>
        %mul3A_607 = arith.constant 8 : i32
        %mul3A_608 = arith.muli %scan3A_418, %mul3A_607 : i32
        %add3A_609 = arith.constant 200 : i32
        %add3A_610 = arith.addi %add3A_609, %mul3A_608 : i32
        %add3A_611 = arith.constant 6 : i32
        %add3A_612 = arith.addi %add3A_610, %add3A_611 : i32
        %get3A_613 = arith.constant 1 : i32
        %get3A_614 = arith.index_cast %get3A_613 : i32 to index
        %get3A_615 = arith.index_cast %add3A_612 : i32 to index
        %get3A_616 = arith.constant 0 : index
        %get3A_617 = tpu.vector_load %arg16[%get3A_614, %get3A_615, %get3A_616] {strides = array<i32>} : memref<2x400x64xf32, #tpu.memory_space<vmem>>, vector<16xf32>,
        %add3A_618 = arith.addf %add3A_558, %get3A_617 : vector<16xf32>
        %get3A_619 = arith.constant 1 : i32
        %get3A_620 = arith.index_cast %get3A_619 : i32 to index
        %get3A_621 = arith.index_cast %add3A_612 : i32 to index
        %get3A_622 = arith.constant 16 : index
        %get3A_623 = tpu.vector_load %arg16[%get3A_620, %get3A_621, %get3A_622] {strides = array<i32>} : memref<2x400x64xf32, #tpu.memory_space<vmem>>, vector<16xf32>,
        %add3A_624 = arith.addf %add3A_564, %get3A_623 : vector<16xf32>
        %get3A_625 = arith.constant 1 : i32
        %get3A_626 = arith.index_cast %get3A_625 : i32 to index
        %get3A_627 = arith.index_cast %add3A_612 : i32 to index
        %get3A_628 = arith.constant 32 : index
        %get3A_629 = tpu.vector_load %arg16[%get3A_626, %get3A_627, %get3A_628] {strides = array<i32>} : memref<2x400x64xf32, #tpu.memory_space<vmem>>, vector<16xf32>,
        %add3A_630 = arith.addf %add3A_570, %get3A_629 : vector<16xf32>
        %get3A_631 = arith.constant 1 : i32
        %get3A_632 = arith.index_cast %get3A_631 : i32 to index
        %get3A_633 = arith.index_cast %add3A_612 : i32 to index
        %get3A_634 = arith.constant 48 : index
        %get3A_635 = tpu.vector_load %arg16[%get3A_632, %get3A_633, %get3A_634] {strides = array<i32>} : memref<2x400x64xf32, #tpu.memory_space<vmem>>, vector<16xf32>,
        %add3A_636 = arith.addf %add3A_576, %get3A_635 : vector<16xf32>
        %mul3A_637 = arith.constant 8 : i32
        %mul3A_638 = arith.muli %scan3A_418, %mul3A_637 : i32
        %add3A_639 = arith.constant 200 : i32
        %add3A_640 = arith.addi %add3A_639, %mul3A_638 : i32
        %add3A_641 = arith.constant 7 : i32
        %add3A_642 = arith.addi %add3A_640, %add3A_641 : i32
        %get3A_643 = arith.constant 1 : i32
        %get3A_644 = arith.index_cast %get3A_643 : i32 to index
        %get3A_645 = arith.index_cast %add3A_642 : i32 to index
        %get3A_646 = arith.constant 0 : index
        %get3A_647 = tpu.vector_load %arg16[%get3A_644, %get3A_645, %get3A_646] {strides = array<i32>} : memref<2x400x64xf32, #tpu.memory_space<vmem>>, vector<16xf32>,
        %add3A_648 = arith.addf %add3A_588, %get3A_647 : vector<16xf32>
        %get3A_649 = arith.constant 1 : i32
        %get3A_650 = arith.index_cast %get3A_649 : i32 to index
        %get3A_651 = arith.index_cast %add3A_642 : i32 to index
        %get3A_652 = arith.constant 16 : index
        %get3A_653 = tpu.vector_load %arg16[%get3A_650, %get3A_651, %get3A_652] {strides = array<i32>} : memref<2x400x64xf32, #tpu.memory_space<vmem>>, vector<16xf32>,
        %add3A_654 = arith.addf %add3A_594, %get3A_653 : vector<16xf32>
        %get3A_655 = arith.constant 1 : i32
        %get3A_656 = arith.index_cast %get3A_655 : i32 to index
        %get3A_657 = arith.index_cast %add3A_642 : i32 to index
        %get3A_658 = arith.constant 32 : index
        %get3A_659 = tpu.vector_load %arg16[%get3A_656, %get3A_657, %get3A_658] {strides = array<i32>} : memref<2x400x64xf32, #tpu.memory_space<vmem>>, vector<16xf32>,
        %add3A_660 = arith.addf %add3A_600, %get3A_659 : vector<16xf32>
        %get3A_661 = arith.constant 1 : i32
        %get3A_662 = arith.index_cast %get3A_661 : i32 to index
        %get3A_663 = arith.index_cast %add3A_642 : i32 to index
        %get3A_664 = arith.constant 48 : index
        %get3A_665 = tpu.vector_load %arg16[%get3A_662, %get3A_663, %get3A_664] {strides = array<i32>} : memref<2x400x64xf32, #tpu.memory_space<vmem>>, vector<16xf32>,
        %add3A_666 = arith.addf %add3A_606, %get3A_665 : vector<16xf32>
        scf.yield %add3A_618, %add3A_624, %add3A_630, %add3A_636, %add3A_648, %add3A_654, %add3A_660, %add3A_666 : vector<16xf32>, vector<16xf32>, vector<16xf32>, vector<16xf32>, vector<16xf32>, vector<16xf32>, vector<16xf32>, vector<16xf32>
      }
      %scan3A_324 = arith.constant 25 : i32
      %add3A_325 = arith.addf %scan3A_323#0, %scan3A_323#4 : vector<16xf32>
      %add3A_326 = arith.addf %scan3A_323#1, %scan3A_323#5 : vector<16xf32>
      %add3A_327 = arith.addf %scan3A_323#2, %scan3A_323#6 : vector<16xf32>
      %add3A_328 = arith.addf %scan3A_323#3, %scan3A_323#7 : vector<16xf32>
      %add3A_329 = arith.constant 2 : i32
      %add3A_330 = arith.addi %add3A_271, %add3A_329 : i32
      %lt3A_331 = arith.constant 128 : i32
      %lt3A_332 = arith.cmpi slt, %add3A_330, %lt3A_331 : i32
      %convert_element_type3A_333 = arith.extui %lt3A_332 : i1 to i32
      %cond3A_334 = arith.constant 0 : i32
      %cond3A_335 = arith.cmpi ne, %convert_element_type3A_333, %cond3A_334 : i32
      scf.if %cond3A_335 {
        %add3A_418 = arith.constant 2 : i32
        %add3A_419 = arith.addi %add3A_271, %add3A_418 : i32
        %dma_start3A_420 = arith.constant 1 : i32
        %dma_start3A_421 = arith.constant 200 : i32
        %dma_start3A_422 = arith.constant 0 : i32
        %dma_start3A_423 = tpu.memref_slice %arg16[%dma_start3A_420, %dma_start3A_421, %dma_start3A_422] : memref<2x400x64xf32, #tpu.memory_space<vmem>> -> memref<1x128x64xf32, #tpu.memory_space<vmem>>
        %dma_start3A_424 = tpu.memref_squeeze %dma_start3A_423 : memref<1x128x64xf32, #tpu.memory_space<vmem>> -> memref<128x64xf32, #tpu.memory_space<vmem>>
        %dma_start3A_425 = arith.constant 0 : i32
        %dma_start3A_426 = tpu.memref_slice %arg11[%add3A_419, %dma_start3A_425] : memref<128x200xi32, #tpu.memory_space<vmem>> -> memref<1x128xi32, #tpu.memory_space<vmem>>
        %dma_start3A_427 = tpu.memref_squeeze %dma_start3A_426 : memref<1x128xi32, #tpu.memory_space<vmem>> -> memref<128xi32, #tpu.memory_space<vmem>>
        %dma_start3A_428 = arith.constant 0 : i32
        %dma_start3A_429 = arith.constant 0 : i32
        %dma_start3A_430 = tpu.memref_slice %arg6[%dma_start3A_428, %dma_start3A_429] : memref<1000000x64xf32, #tpu.memory_space<hbm>> -> memref<1000000x64xf32, #tpu.memory_space<hbm>>
        tpu.enqueue_indirect_dma source(%dma_start3A_430 : memref<1000000x64xf32, #tpu.memory_space<hbm>>) target(%dma_start3A_424 : memref<128x64xf32, #tpu.memory_space<vmem>>) offsets(%dma_start3A_427 : memref<128xi32, #tpu.memory_space<vmem>>) semaphore(%arg21 : memref<!tpu.dma_semaphore, #tpu.memory_space<semaphore_mem>>)
        %dma_start3A_431 = arith.constant 1 : i32
        %dma_start3A_432 = arith.constant 328 : i32
        %dma_start3A_433 = arith.constant 0 : i32
        %dma_start3A_434 = tpu.memref_slice %arg16[%dma_start3A_431, %dma_start3A_432, %dma_start3A_433] : memref<2x400x64xf32, #tpu.memory_space<vmem>> -> memref<1x72x64xf32, #tpu.memory_space<vmem>>
        %dma_start3A_435 = tpu.memref_squeeze %dma_start3A_434 : memref<1x72x64xf32, #tpu.memory_space<vmem>> -> memref<72x64xf32, #tpu.memory_space<vmem>>
        %dma_start3A_436 = arith.constant 128 : i32
        %dma_start3A_437 = tpu.memref_slice %arg11[%add3A_419, %dma_start3A_436] : memref<128x200xi32, #tpu.memory_space<vmem>> -> memref<1x72xi32, #tpu.memory_space<vmem>>
        %dma_start3A_438 = tpu.memref_squeeze %dma_start3A_437 : memref<1x72xi32, #tpu.memory_space<vmem>> -> memref<72xi32, #tpu.memory_space<vmem>>
        %dma_start3A_439 = arith.constant 0 : i32
        %dma_start3A_440 = arith.constant 0 : i32
        %dma_start3A_441 = tpu.memref_slice %arg6[%dma_start3A_439, %dma_start3A_440] : memref<1000000x64xf32, #tpu.memory_space<hbm>> -> memref<1000000x64xf32, #tpu.memory_space<hbm>>
        tpu.enqueue_indirect_dma source(%dma_start3A_441 : memref<1000000x64xf32, #tpu.memory_space<hbm>>) target(%dma_start3A_435 : memref<72x64xf32, #tpu.memory_space<vmem>>) offsets(%dma_start3A_438 : memref<72xi32, #tpu.memory_space<vmem>>) semaphore(%arg21 : memref<!tpu.dma_semaphore, #tpu.memory_space<semaphore_mem>>)
      } else {
      }
      %get3A_336 = arith.index_cast %add3A_271 : i32 to index
      %get3A_337 = tpu.vector_load %arg12[%get3A_336] {strides = array<i32>} : memref<144xf32, #tpu.memory_space<vmem>>, vector<16xf32>,
      %slice3A_338 = vector.extract_strided_slice %get3A_337 {offsets = [0], sizes = [1], strides = [1]} : vector<16xf32> to vector<1xf32>
      %squeeze3A_339 = vector.extract %slice3A_338[0] : f32 from vector<1xf32>
      %broadcast_in_dim3A_340 = vector.broadcast %squeeze3A_339 : f32 to vector<16xf32>
      %get3A_341 = arith.index_cast %add3A_271 : i32 to index
      %get3A_342 = tpu.vector_load %arg13[%get3A_341] {strides = array<i32>} : memref<144xf32, #tpu.memory_space<vmem>>, vector<16xf32>,
      %slice3A_343 = vector.extract_strided_slice %get3A_342 {offsets = [0], sizes = [1], strides = [1]} : vector<16xf32> to vector<1xf32>
      %squeeze3A_344 = vector.extract %slice3A_343[0] : f32 from vector<1xf32>
      %broadcast_in_dim3A_345 = vector.broadcast %squeeze3A_344 : f32 to vector<16xf32>
      %mul3A_346 = arith.mulf %add3A_293, %broadcast_in_dim3A_340 : vector<16xf32>
      %mul3A_347 = arith.mulf %add3A_325, %broadcast_in_dim3A_345 : vector<16xf32>
      %add3A_348 = arith.addf %mul3A_346, %mul3A_347 : vector<16xf32>
      %mul3A_349 = arith.mulf %add3A_294, %broadcast_in_dim3A_340 : vector<16xf32>
      %mul3A_350 = arith.mulf %add3A_326, %broadcast_in_dim3A_345 : vector<16xf32>
      %add3A_351 = arith.addf %mul3A_349, %mul3A_350 : vector<16xf32>
      %mul3A_352 = arith.mulf %add3A_295, %broadcast_in_dim3A_340 : vector<16xf32>
      %mul3A_353 = arith.mulf %add3A_327, %broadcast_in_dim3A_345 : vector<16xf32>
      %add3A_354 = arith.addf %mul3A_352, %mul3A_353 : vector<16xf32>
      %mul3A_355 = arith.mulf %add3A_296, %broadcast_in_dim3A_340 : vector<16xf32>
      %mul3A_356 = arith.mulf %add3A_328, %broadcast_in_dim3A_345 : vector<16xf32>
      %add3A_357 = arith.addf %mul3A_355, %mul3A_356 : vector<16xf32>
      %mul3A_358 = arith.mulf %add3A_348, %get3A_3 : vector<16xf32>
      %mul3A_359 = arith.mulf %add3A_351, %get3A_5 : vector<16xf32>
      %add3A_360 = arith.addf %mul3A_358, %mul3A_359 : vector<16xf32>
      %mul3A_361 = arith.mulf %add3A_354, %get3A_7 : vector<16xf32>
      %add3A_362 = arith.addf %add3A_360, %mul3A_361 : vector<16xf32>
      %mul3A_363 = arith.mulf %add3A_357, %get3A_9 : vector<16xf32>
      %add3A_364 = arith.addf %add3A_362, %mul3A_363 : vector<16xf32>
      %reduce_sum3A_365 = arith.constant true
      %reduce_sum3A_366 = vector.broadcast %reduce_sum3A_365 : i1 to vector<16xi1>
      %reduce_sum3A_367 = tpu.scan <sum>, %add3A_364 masked %reduce_sum3A_366 : vector<16xf32>, vector<16xi1> -> vector<16xf32>
      %reduce_sum3A_368 = vector.extract %reduce_sum3A_367[15] : f32 from vector<16xf32>
      %eq3A_369 = arith.constant 0 : i32
      %eq3A_370 = vector.broadcast %eq3A_369 : i32 to vector<16xi32>
      %eq3A_371 = arith.cmpi eq, %iota3A, %eq3A_370 : vector<16xi32>
      %broadcast_in_dim3A_372 = vector.broadcast %reduce_sum3A_368 : f32 to vector<16xf32>
      %jit3A_373 = arith.constant 0.000000e+00 : f32
      %broadcast_in_dim3A_374 = vector.broadcast %jit3A_373 : f32 to vector<16xf32>
      %select_n3A_375 = arith.select %eq3A_371, %broadcast_in_dim3A_372, %broadcast_in_dim3A_374 : vector<16xi1>, vector<16xf32>
      %add3A_376 = arith.addf %get3A_27, %select_n3A_375 : vector<16xf32>
      %mul3A_377 = arith.mulf %add3A_348, %get3A_11 : vector<16xf32>
      %mul3A_378 = arith.mulf %add3A_351, %get3A_13 : vector<16xf32>
      %add3A_379 = arith.addf %mul3A_377, %mul3A_378 : vector<16xf32>
      %mul3A_380 = arith.mulf %add3A_354, %get3A_15 : vector<16xf32>
      %add3A_381 = arith.addf %add3A_379, %mul3A_380 : vector<16xf32>
      %mul3A_382 = arith.mulf %add3A_357, %get3A_17 : vector<16xf32>
      %add3A_383 = arith.addf %add3A_381, %mul3A_382 : vector<16xf32>
      %reduce_sum3A_384 = arith.constant true
      %reduce_sum3A_385 = vector.broadcast %reduce_sum3A_384 : i1 to vector<16xi1>
      %reduce_sum3A_386 = tpu.scan <sum>, %add3A_383 masked %reduce_sum3A_385 : vector<16xf32>, vector<16xi1> -> vector<16xf32>
      %reduce_sum3A_387 = vector.extract %reduce_sum3A_386[15] : f32 from vector<16xf32>
      %eq3A_388 = arith.constant 1 : i32
      %eq3A_389 = vector.broadcast %eq3A_388 : i32 to vector<16xi32>
      %eq3A_390 = arith.cmpi eq, %iota3A, %eq3A_389 : vector<16xi32>
      %broadcast_in_dim3A_391 = vector.broadcast %reduce_sum3A_387 : f32 to vector<16xf32>
      %jit3A_392 = arith.constant 0.000000e+00 : f32
      %broadcast_in_dim3A_393 = vector.broadcast %jit3A_392 : f32 to vector<16xf32>
      %select_n3A_394 = arith.select %eq3A_390, %broadcast_in_dim3A_391, %broadcast_in_dim3A_393 : vector<16xi1>, vector<16xf32>
      %add3A_395 = arith.addf %add3A_376, %select_n3A_394 : vector<16xf32>
      %mul3A_396 = arith.mulf %add3A_348, %get3A_19 : vector<16xf32>
      %mul3A_397 = arith.mulf %add3A_351, %get3A_21 : vector<16xf32>
      %add3A_398 = arith.addf %mul3A_396, %mul3A_397 : vector<16xf32>
      %mul3A_399 = arith.mulf %add3A_354, %get3A_23 : vector<16xf32>
      %add3A_400 = arith.addf %add3A_398, %mul3A_399 : vector<16xf32>
      %mul3A_401 = arith.mulf %add3A_357, %get3A_25 : vector<16xf32>
      %add3A_402 = arith.addf %add3A_400, %mul3A_401 : vector<16xf32>
      %reduce_sum3A_403 = arith.constant true
      %reduce_sum3A_404 = vector.broadcast %reduce_sum3A_403 : i1 to vector<16xi1>
      %reduce_sum3A_405 = tpu.scan <sum>, %add3A_402 masked %reduce_sum3A_404 : vector<16xf32>, vector<16xi1> -> vector<16xf32>
      %reduce_sum3A_406 = vector.extract %reduce_sum3A_405[15] : f32 from vector<16xf32>
      %eq3A_407 = arith.constant 2 : i32
      %eq3A_408 = vector.broadcast %eq3A_407 : i32 to vector<16xi32>
      %eq3A_409 = arith.cmpi eq, %iota3A, %eq3A_408 : vector<16xi32>
      %broadcast_in_dim3A_410 = vector.broadcast %reduce_sum3A_406 : f32 to vector<16xf32>
      %jit3A_411 = arith.constant 0.000000e+00 : f32
      %broadcast_in_dim3A_412 = vector.broadcast %jit3A_411 : f32 to vector<16xf32>
      %select_n3A_413 = arith.select %eq3A_409, %broadcast_in_dim3A_410, %broadcast_in_dim3A_412 : vector<16xi1>, vector<16xf32>
      %add3A_414 = arith.addf %add3A_395, %select_n3A_413 : vector<16xf32>
      %swap3A_415 = arith.index_cast %add3A_271 : i32 to index
      %swap3A_416 = arith.constant 0 : index
      %swap3A_417 = tpu.vector_load %arg17[%swap3A_415, %swap3A_416] {strides = array<i32>} : memref<128x16xf32, #tpu.memory_space<vmem>>, vector<16xf32>,
      tpu.vector_store %arg17[%swap3A_415, %swap3A_416], %add3A_414 {strides = array<i32>} : memref<128x16xf32, #tpu.memory_space<vmem>>, vector<16xf32>,
    }
    %scan3A_127 = arith.constant 64 : i32
    "tpu.region"() ({
      %run_scoped3A = tpu.sem_alloc : memref<!tpu.dma_semaphore, #tpu.memory_space<semaphore_mem>>
      %dma_start3A_128 = arith.constant 0 : i32
      %dma_start3A_129 = tpu.memref_slice %arg9[%mul3A_2, %dma_start3A_128] : memref<4096x16xf32, #tpu.memory_space<hbm>> -> memref<128x16xf32, #tpu.memory_space<hbm>>
      %dma_start3A_130 = arith.constant 0 : i32
      %dma_start3A_131 = tpu.memref_slice %arg9[%mul3A_2, %dma_start3A_130] : memref<4096x16xf32, #tpu.memory_space<hbm>> -> memref<128x16xf32, #tpu.memory_space<hbm>>
      tpu.enqueue_dma source(%arg17 : memref<128x16xf32, #tpu.memory_space<vmem>>) target(%dma_start3A_131 : memref<128x16xf32, #tpu.memory_space<hbm>>) target_semaphore(%run_scoped3A : memref<!tpu.dma_semaphore, #tpu.memory_space<semaphore_mem>>)
      %dma_wait3A = arith.constant 0 : i32
      %dma_wait3A_132 = tpu.memref_slice %arg9[%mul3A_2, %dma_wait3A] : memref<4096x16xf32, #tpu.memory_space<hbm>> -> memref<128x16xf32, #tpu.memory_space<hbm>>
      %dma_wait3A_133 = arith.constant 0 : i32
      %dma_wait3A_134 = tpu.memref_slice %arg9[%mul3A_2, %dma_wait3A_133] : memref<4096x16xf32, #tpu.memory_space<hbm>> -> memref<128x16xf32, #tpu.memory_space<hbm>>
      tpu.wait_dma2 semaphore(%run_scoped3A : memref<!tpu.dma_semaphore, #tpu.memory_space<semaphore_mem>>) src(%arg17 : memref<128x16xf32, #tpu.memory_space<vmem>>) dst(%dma_wait3A_134 : memref<128x16xf32, #tpu.memory_space<hbm>>)
      tpu.yield
    }) : () -> ()
    return
  }
}

</mosaic_0001>

<sc_bundles>
// kernel: kernel.3.cloned.1.call-start
scs
__scs_entry_jumppad:
0x0: {  	(pc) =	sbr.rel $0x88, $3  }
0x1: {  	(tag) =	ssettag $0x0;
	lr =	simm.s32 $0x1  }
0x2: {  	[smem:$0x3F9A] =	sst lr;
	_ =	strace $0xD0000000  }
0x3: {  	_ = 	snop  }
0x4: {  	_ = 	snop  }
0x5: {  	_ = 	snop  }
0x6: {  	_ = 	snop  }
0x7: {  	_ = 	snop  }
__scs_overlays_trampoline_lowered:
0x8: {  	[smem:$0x3FA9] =	sst s0  }
0x9: {  	[smem:$0x3FAA] =	sst s1  }
0xa: {  	[smem:$0x3FAB] =	sst s2  }
0xb: {  	[smem:$0x3FAC] =	sst s3  }
0xc: {  	[smem:$0x3FAD] =	sst s4  }
0xd: {  	[smem:$0x3FAE] =	sst s5  }
0xe: {  	[smem:$0x3FAF] =	sst s6  }
0xf: {  	[smem:$0x3FB0] =	sst s7  }
0x10: {  	[smem:$0x3FB1] =	sst s8  }
0x11: {  	[smem:$0x3FB2] =	sst s9;
	s0 =	simm.s32 @!p0 $0x0  }
0x12: {  	s1 =	sld [smem:$0x3F98];
	s0 =	simm.s32 @p0 $0x1  }
0x13: {  	[smem:$0x3FB3] =	sst s0;
	s0 =	simm.s32 @!p1 $0x0  }
0x14: {  	s2 =	sld [smem:$0x3F97];
	s0 =	simm.s32 @p1 $0x1  }
0x15: {  	[smem:$0x3FB4] =	sst s0;
	s0 =	simm.s32 @!p2 $0x0  }
0x16: {  	s3 =	sld [smem:$0x3FDB];
	s0 =	simm.s32 @p2 $0x1  }
0x17: {  	s4 =	simm.s32 $0x1BF5;
	[smem:$0x3FB6] =	sst s0  }
0x18: {  	s0 =	sld [smem:$0x3F99];
	_ =	swait.ge [sflag:s4], $0x0  }
0x19: {  	s7 =	sld [smem:$0x3F9A]  }
0x1a: {  	s8 =	sadd.s32 $0xFFFFE003, lr  }
0x1b: {  	s9 =	sadd.s32 $0xFFFFFEF7, lr;
	s5 =	simm.s32 $0xFFFFFFFF;
	p2 =	slt.u32 s8, $0xFFFFF086  }
0x1c: {  	p1 =	slt.u32 s9, $0xF7A;
	s5 =	simm.s32 @!p2 $0x0  }
0x1d: {  	s5 =	simm.s32 @p1 $0x1;
	p0 =	seq.s32 s7, s2  }
0x1e: {  	s7 =	smul.u32 @!p0 $0xF7A, s2;
	p2 =	seq.s32 @!p0 s5, $0x0  }
0x1f: {  	s9 =	smul.u32 $0xF7A, s1;
	s8 =	simm.s32 @!p0 $0x1BF5;
	p2 =	por !p2, p0  }
0x20: {  	[sflag:s8] =	ssyncset.s32 @!p0 $0xFFFFF086;
	s6 =	sadd.s32 @!p0 s3, s7;
	s7 =	simm.s32 @!p0 $0x108  }
0x21: {  	s3 =	sadd.s32 s3, s9;
	s6 =	sadd.s32 @!p0 $0x88, s6;
	s7 =	simm.s32 @p2 $0x1082  }
0x22: {  	[simem:s7], [sflag:s8] =	dma.local @!p0 [hbm:s6], $0xF7A  }
0x23: {  	s9 =	sor.u32 $0xD0000000, s2;
	s6 =	simm.s32 $0x108;
	_ =	swait.ge @!p0 [sflag:s8], $0x0  }
0x24: {  	s3 =	sadd.s32 $0x88, s3;
	s6 =	simm.s32 @!p1 $0x1082;
	[sflag:s4] =	ssyncset.s32 $0xFFFFF086  }
0x25: {  	[simem:s6], [sflag:s4] =	dma.local [hbm:s3], $0xF7A  }
0x26: {  	[smem:$0x3F9A] =	sst s1;
	(tag) =	ssettag s2;
	_ =	strace s9  }
0x27: {  	s1 =	sld [smem:$0x3FAA]  }
0x28: {  	s2 =	sld [smem:$0x3FAB]  }
0x29: {  	s4 =	sld [smem:$0x3FAD]  }
0x2a: {  	p0 =	seq.s32 s5, $0x0;
	s5 =	sld [smem:$0x3FAE]  }
0x2b: {  	s6 =	sld [smem:$0x3FAF]  }
0x2c: {  	s7 =	sld [smem:$0x3FB0]  }
0x2d: {  	s3 =	simm.s32 $0x108;
	s8 =	sld [smem:$0x3FB1]  }
0x2e: {  	s3 =	simm.s32 @!p0 $0x1082;
	s9 =	sld [smem:$0x3FB2]  }
0x2f: {  	lr =	sadd.s32 s0, s3;
	s0 =	sld [smem:$0x3FA9]  }
0x30: {  	s3 =	sld [smem:$0x3FAC]  }
0x31: {  	[smem:$0x3FB5] =	sst s10  }
0x32: {  	s10 =	sld [smem:$0x3FB3];
	_ =	sdelay $0x3  }
0x33: {  	p0 =	seq.s32 s10, $0x1;
	s10 =	sld [smem:$0x3FB5];
	_ =	sdelay $0x3  }
0x34: {  	[smem:$0x3FB5] =	sst s10  }
0x35: {  	s10 =	sld [smem:$0x3FB4];
	_ =	sdelay $0x3  }
0x36: {  	p1 =	seq.s32 s10, $0x1;
	s10 =	sld [smem:$0x3FB5];
	_ =	sdelay $0x3  }
0x37: {  	[smem:$0x3FB5] =	sst s10  }
0x38: {  	s10 =	sld [smem:$0x3FB6]  }
0x39: {  	_ = 	snop;
	(pc) =	sbr.ind lr, $3  }
0x3a: {  	_ = 	snop  }
0x3b: {  	_ = 	snop  }
0x3c: {  	p2 =	seq.s32 s10, $0x1;
	s10 =	sld [smem:$0x3FB5]  }
0x3d: {  	_ =	shalt  }
0x3e: {  	_ =	shalt  }
0x3f: {  	_ =	shalt  }
0x40: {  	_ =	shalt  }
0x41: {  	_ =	shalt  }
0x42: {  	_ =	shalt  }
0x43: {  	_ =	shalt  }
0x44: {  	_ =	shalt  }
0x45: {  	_ =	shalt  }
0x46: {  	_ =	shalt  }
0x47: {  	_ =	shalt  }
0x48: {  	_ =	shalt  }
0x49: {  	_ =	shalt  }
0x4a: {  	_ =	shalt  }
0x4b: {  	_ =	shalt  }
0x4c: {  	_ =	shalt  }
0x4d: {  	_ =	shalt  }
0x4e: {  	_ =	shalt  }
0x4f: {  	_ =	shalt  }
0x50: {  	_ =	shalt  }
0x51: {  	_ =	shalt  }
0x52: {  	_ =	shalt  }
0x53: {  	_ =	shalt  }
0x54: {  	_ =	shalt  }
0x55: {  	_ =	shalt  }
0x56: {  	_ =	shalt  }
0x57: {  	_ =	shalt  }
0x58: {  	_ =	shalt  }
0x59: {  	_ =	shalt  }
0x5a: {  	_ =	shalt  }
0x5b: {  	_ =	shalt  }
0x5c: {  	_ =	shalt  }
0x5d: {  	_ =	shalt  }
0x5e: {  	_ =	shalt  }
0x5f: {  	_ =	shalt  }
0x60: {  	_ =	shalt  }
0x61: {  	_ =	shalt  }
0x62: {  	_ =	shalt  }
0x63: {  	_ =	shalt  }
0x64: {  	_ =	shalt  }
0x65: {  	_ =	shalt  }
0x66: {  	_ =	shalt  }
0x67: {  	_ =	shalt  }
0x68: {  	_ =	shalt  }
0x69: {  	_ =	shalt  }
0x6a: {  	_ =	shalt  }
0x6b: {  	_ =	shalt  }
0x6c: {  	_ =	shalt  }
0x6d: {  	_ =	shalt  }
0x6e: {  	_ =	shalt  }
0x6f: {  	_ =	shalt  }
0x70: {  	_ =	shalt  }
0x71: {  	_ =	shalt  }
0x72: {  	_ =	shalt  }
0x73: {  	_ =	shalt  }
0x74: {  	_ =	shalt  }
0x75: {  	_ =	shalt  }
0x76: {  	_ =	shalt  }
0x77: {  	_ =	shalt  }
0x78: {  	_ =	shalt  }
0x79: {  	_ =	shalt  }
0x7a: {  	_ =	shalt  }
0x7b: {  	_ =	shalt  }
0x7c: {  	_ =	shalt  }
0x7d: {  	_ =	shalt  }
0x7e: {  	_ =	shalt  }
0x7f: {  	_ =	shalt  }
0x80: {  	_ =	shalt  }
0x81: {  	_ =	shalt  }
0x82: {  	_ =	shalt  }
0x83: {  	_ =	shalt  }
0x84: {  	_ =	shalt  }
0x85: {  	_ =	shalt  }
0x86: {  	_ =	shalt  }
0x87: {  	_ =	shalt  }
.Lfunc_end0:
.L_simem_size_0:
called_computation_lowered:
.L_overlay_start_0:
0x88: {  	s2 =	sld [smem:$0x3FD9]  }
0x89: {  	s3 =	sld [smem:$0x3FFE];
	_ =	sdelay $0x1  }
0x8a: {  	s1 =	srdreg.scid  }
0x8b: {  	s0 =	sand.u32 $0x1, s1  }
0x8c: {  	s17 =	sshll.u32 s0, $0xA;
	s2 =	sadd.s32 s3, s2  }
0x8d: {  	s2 =	sadd.s32 s2, s17  }
0x8e: {  	[smem:$0x3FC1] =	sst s2  }
0x8f: {  	_ = 	snop  }
0x90: {  	s2 =	sld [smem:$0x3FD0];
	(tm) =	ssettm $0x1  }
0x91: {  	s18 =	sld [smem:$0x3FFB];
	_ =	sdelay $0x3  }
0x92: {  	_ =	strace s18  }
0x93: {  	s3 =	sld [smem:$0x3FFC];
	_ =	sdelay $0x3  }
0x94: {  	_ =	strace s3  }
0x95: {  	s3 =	sld [smem:$0x3FFD];
	_ =	sdelay $0x3  }
0x96: {  	_ =	strace s3  }
0x97: {  	_ =	strace $0x8FFFFFFF  }
0x98: {  	s19 =	sld [smem:$0x3FDB];
	_ =	sdelay $0x1  }
0x99: {  	s4 =	simm.s32 $_scs_section_size  }
0x9a: {  	s5 =	simm.s32 $_size__tile_overlayer_lowered;
	s6 =	simm.s32 $_tile_overlayer_lowered  }
0x9b: {  	s22 =	simm.s32 $0x1BFF;
	s21 =	sshll.u32 s6, $0x1;
	s3 =	sadd.s32 s4, s19  }
0x9c: {  	s7 =	simm.s32 $0x0;
	s20 =	sshll.u32 s5, $0x1;
	s5 =	sadd.s32 s21, s3  }
0x9d: {  	[timem:s7], [sflag:s22] =	dma.local [hbm:s5], s20  }
0x9e: {  	_ =	swait.ge [sflag:s22], s20  }
0x9f: {  	s4 =	ssub.s32 $0x0, s20;
	[sflag:s22] =	ssyncset.done $0x0  }
0xa0: {  	[sflag:s22] =	ssyncadd.s32 s4;
	_ =	sdelay $0x1  }
0xa1: {  	s23 =	simm.s32 $0x1B8B  }
0xa2: {  	_ =	swait.ge [sflag:s23], $0x1  }
0xa3: {  	[sflag:s23] =	ssyncset.done $0x0  }
0xa4: {  	s25 =	simm.s32 $0x1B8E;
	s24 =	sld [smem:$0x3FFE];
	[sflag:s23] =	ssyncadd.s32 $0xFFFFFFFF  }
0xa5: {  	s26 =	simm.s32 $execute0_lowered;
	[smem:$0x3FD2] =	sst s25  }
0xa6: {  	s5 =	sshll.u32 s26, $0x1;
	_ =	strace $0x80000046;
	[dreg:$0x1] =	wrdreg $0xFFFFFFFF  }
0xa7: {  	s28 =	simm.s32 $_size_execute0_lowered;
	s3 =	sadd.s32 s3, s5;
	[dreg:$0x0] =	wrdreg $0x0  }
0xa8: {  	s5 =	sshll.u32 s28, $0x1;
	[dreg:$0x2] =	wrdreg s3  }
0xa9: {  	[dreg:$0x3] =	wrdreg s5  }
0xaa: {  	[dreg:$0x4] =	wrdreg $0xC0  }
0xab: {  	_ =	task [dreg:s7], $0x5FFFF  }
0xac: {  	[dreg:$0x1] =	wrdreg $0xFFFFFFFF  }
0xad: {  	[dreg:$0x0] =	wrdreg $0x60  }
0xae: {  	[dreg:$0x2] =	wrdreg s24  }
0xaf: {  	[dreg:$0x3] =	wrdreg s2  }
0xb0: {  	[dreg:$0x4] =	wrdreg $0x9  }
0xb1: {  	_ =	task.clear_ibuf [dreg:s7], $0x5FFFF;
	_ =	strace $0x90000046  }
0xb2: {  	s29 =	simm.s32 $0x9;
	_ =	strace $0x80000048  }
0xb3: {  	_ =	swait.ge [sflag:s29], $0x1  }
0xb4: {  	[sflag:s29] =	ssyncadd.s32 $0xFFFFFFFF  }
0xb5: {  	_ =	strace $0x90000048  }
0xb6: {  	_ =	sfence  }
0xb7: {  	s30 =	sld [smem:$0x0];
	_ =	sdelay $0x2  }
0xb8: {  	s31 =	sshll.u32 s1, $0xD;
	s1 =	sshrl.u32 s1, $0x2  }
0xb9: {  	s3 =	sand.u32 $0x4000, s31;
	s1 =	sadd.s32 s1, s30  }
0xba: {  	s0 =	sor.u32 s3, s0;
	s1 =	sshll.u32 s1, $0x11  }
0xbb: {  	s0 =	sor.u32 s1, s0  }
0xbc: {  	s0 =	sadd.s32 $0x8F2B, s0  }
0xbd: {  	[sflag:s0] =	ssyncadd.remote.s32 $0x1  }
0xbe: {  	_ =	sfence.sel $0xFFFF  }
0xbf: {  	[dreg:$0x0] =	wrdreg $0xFFFFFFFF;
	(pc) =	sbr.abs _section_cstart, $3  }
0xc0: {  	[dreg:$0x1] =	wrdreg $0xFFFFFFFF  }
0xc1: {  	_ =	task.clear_ibuf [dreg:s7], $0x2FFFF;
	_ =	strace $0x9FFFFFFF  }
0xc2: {  	(tm) =	ssettm $0x7FFFFFFF  }
0xc3: {  	_ =	shalt  }
tec
execute0_lowered:
.L_overlay_start_1:
0x0: {  	(tag) =	ssettag $0x1  }
0x1: {  	s0 =	srdreg.scid;
	s1 =	rddreg [dreg:$0x0]  }
0x2: {  	s2 =	stileid.u32;
	s8 =	rddreg [dreg:$0x1]  }
0x3: {  	s12 =	simm.s32 $0x5;
	s13 =	simm.s32 $0x6400;
	s18 =	simm.s32 $0x80  }
0x4: {  	s20 =	simm.s32 $0x48;
	s30 =	simm.s32 $0x64C8;
	s31 =	simm.s32 $0x15FF0  }
0x5: {  	s14 =	simm.s32 $0x1;
	s15 =	simm.s32 $0x3;
	s16 =	simm.s32 $0x2  }
0x6: {  	s17 =	simm.s32 $0x4;
	s19 =	simm.s32 $0x191F0;
	s0 =	sand.u32 $0x1, s0  }
0x7: {  	s21 =	simm.s32 $0x0;
	s2 =	sshll.u32 s2, $0x8;
	s3 =	sshll.u32 s0, $0x7  }
0x8: {  	s4 =	sadd.s32 $0x33200, s1;
	s0 =	ssub.s32 $0x2, s0;
	s5 =	sor.u32 s3, s2  }
0x9: {  	s2 =	simm.s32 $0x0;
	s11 =	sshrl.u32 s0, $0x1;
	s3 =	smul.u32 $0x19, s5  }
0xa: {  	[smem:$0x7FF] =	sst s2;
	s9 =	sshrl.u32 s5, $0x3;
	s6 =	sshll.u32 s5, $0x1  }
0xb: {  	s5 =	sadd.s32 $0x33400, s1;
	s0 =	ssub.s32 s0, s11;
	_ =	strace $0x80000047  }
0xc: {  	s10 =	sadd.s32 s9, s1;
	s8 =	sadd.s32 s8, s9;
	s11 =	smax.u32 s0, $0x1  }
0xd: {  	s0 =	simm.s32 $0x17FF0;
	s7 =	sadd.s32 s3, s1;
	s3 =	sadd.s32 $0xF43400, s1  }
0xe: {  	s1 =	sadd.s32 s6, s1;
	s9 =	sadd.s32 $0x33000, s10;
	s6 =	sadd.s32 $0x1A000, s7  }
0xf: {  	vm0 =	vmmov $0x1;
	vm1 =	vcmask $0x704;
	vm2 =	vcmask $0xB08;
	s7 =	sadd.s32 $0x1000, s7;
	s10 =	sadd.s32 $0x33600, s1;
	s1 =	simm.s32 $0x6548  }
.LBB2_1:
0x10: {  	[tilespmem:s2], [sflag:$0x5] =	stream.linear.gather [hbm4b:s6+s2], $0x6400, $0x38;
	[tilespmem:$0x199F0] =	vst v63  }
0x11: {  	_ =	swait.ge [sflag:s12], $0x6400  }
0x12: {  	[sflag:s12] =	ssyncset.done $0x0  }
0x13: {  	[sflag:s12] =	ssyncadd.s32 $0xFFFF9C00  }
0x14: {  	[tilespmem:s13], [sflag:$0x5] =	stream.linear.gather [hbm4b:s7+s2], $0x6400, $0x38;
	[tilespmem:$0x199F0] =	vst v63  }
0x15: {  	_ =	swait.ge [sflag:s12], $0x6400  }
0x16: {  	[sflag:s12] =	ssyncset.done $0x0  }
0x17: {  	s22 =	simm.s32 $0xC800;
	[sflag:s12] =	ssyncadd.s32 $0xFFFF9C00  }
0x18: {  	[tilespmem:s22], [sflag:$0x5] =	stream.linear.gather [hbm4b:s8+s2], $0x80, $0x38;
	[tilespmem:$0x199F0] =	vst v63  }
0x19: {  	_ =	swait.ge [sflag:s12], $0x80  }
0x1a: {  	[sflag:s12] =	ssyncset.done $0x0  }
0x1b: {  	s24 =	simm.s32 $0xC890;
	[sflag:s12] =	ssyncadd.s32 $0xFFFFFF80  }
0x1c: {  	[tilespmem:s24], [sflag:$0x5] =	stream.linear.gather [hbm4b:s9+s2], $0x80, $0x38;
	[tilespmem:$0x199F0] =	vst v63  }
0x1d: {  	_ =	swait.ge [sflag:s12], $0x80  }
0x1e: {  	[sflag:s12] =	ssyncset.done $0x0  }
0x1f: {  	s25 =	simm.s32 $0xC920;
	[sflag:s12] =	ssyncadd.s32 $0xFFFFFF80  }
0x20: {  	[tilespmem:s25], [sflag:$0x5] =	stream.linear.gather [hbm4b:s4+s2], $0xC0, $0x38;
	[tilespmem:$0x199F0] =	vst v63  }
0x21: {  	_ =	swait.ge [sflag:s12], $0xC0  }
0x22: {  	[sflag:s12] =	ssyncset.done $0x0  }
0x23: {  	s26 =	simm.s32 $0xC9E0;
	[sflag:s12] =	ssyncadd.s32 $0xFFFFFF40  }
0x24: {  	[tilespmem:s26], [sflag:$0x5] =	stream.linear.gather [hbm4b:s5+s2], $0x10, $0x38;
	[tilespmem:$0x199F0] =	vst v63  }
0x25: {  	_ =	swait.ge [sflag:s12], $0x10  }
0x26: {  	[sflag:s12] =	ssyncset.done $0x0  }
0x27: {  	[sflag:s12] =	ssyncadd.s32 $0xFFFFFFF0  }
0x28: {  	v0 =	vld [tilespmem:$0xC920]  }
0x29: {  	v1 =	vld [tilespmem:$0xC930]  }
0x2a: {  	v2 =	vld [tilespmem:$0xC940]  }
0x2b: {  	v3 =	vld [tilespmem:$0xC950]  }
0x2c: {  	v4 =	vld [tilespmem:$0xC960]  }
0x2d: {  	v5 =	vld [tilespmem:$0xC970]  }
0x2e: {  	v6 =	vld [tilespmem:$0xC980]  }
0x2f: {  	v7 =	vld [tilespmem:$0xC990]  }
0x30: {  	v8 =	vld [tilespmem:$0xC9A0]  }
0x31: {  	v9 =	vld [tilespmem:$0xC9B0]  }
0x32: {  	v10 =	vld [tilespmem:$0xC9C0]  }
0x33: {  	s28 =	simm.s32 $0xC9F0;
	v11 =	vld [tilespmem:$0xC9D0]  }
0x34: {  	v12 =	vld [tilespmem:$0xC9E0];
	[tilespmem:s28], [sflag:$0x1] =	stream.indirect.gather [hbm4b:s3+s18], $0x40, s2, s18, $0xb8  }
0x35: {  	s29 =	simm.s32 $0xE9F0  }
0x36: {  	[tilespmem:s29], [sflag:$0x1] =	stream.indirect.gather [hbm4b:s3+s20], $0x40, s18, s20, $0xb8;
	[tilespmem:$0x199F0] =	vst v63  }
0x37: {  	s23 =	simm.s32 $0xFBF0  }
0x38: {  	[tilespmem:s23], [sflag:$0x3] =	stream.indirect.gather [hbm4b:s3+s18], $0x40, s13, s18, $0xb8;
	[tilespmem:$0x199F0] =	vst v63  }
0x39: {  	s24 =	simm.s32 $0x6480;
	s23 =	simm.s32 $0x11BF0  }
0x3a: {  	[tilespmem:s23], [sflag:$0x3] =	stream.indirect.gather [hbm4b:s3+s20], $0x40, s24, s20, $0xb8;
	[tilespmem:$0x199F0] =	vst v63  }
0x3b: {  	s25 =	simm.s32 $0xC8;
	s26 =	simm.s32 $0x12DF0  }
0x3c: {  	[tilespmem:s26], [sflag:$0x2] =	stream.indirect.gather [hbm4b:s3+s18], $0x40, s25, s18, $0xb8;
	[tilespmem:$0x199F0] =	vst v63  }
0x3d: {  	s28 =	simm.s32 $0x148;
	s29 =	simm.s32 $0x14DF0  }
0x3e: {  	[tilespmem:s29], [sflag:$0x2] =	stream.indirect.gather [hbm4b:s3+s20], $0x40, s28, s20, $0xb8;
	[tilespmem:$0x199F0] =	vst v63  }
0x3f: {  	_ = 	snop  }
0x40: {  	[tilespmem:s31], [sflag:$0x4] =	stream.indirect.gather [hbm4b:s3+s18], $0x40, s30, s18, $0xb8;
	[tilespmem:$0x199F0] =	vst v63  }
0x41: {  	s22 =	simm.s32 $0x0  }
0x42: {  	[tilespmem:s0], [sflag:$0x4] =	stream.indirect.gather [hbm4b:s3+s20], $0x40, s1, s20, $0xb8;
	[tilespmem:$0x199F0] =	vst v63  }
.LBB2_2:
0x43: {  	_ =	swait.ge [sflag:s14], $0x3200  }
0x44: {  	[sflag:s14] =	ssyncset.done $0x0  }
0x45: {  	s24 =	simm.s32 $0x0;
	[sflag:s14] =	ssyncadd.s32 $0xFFFFCE00  }
0x46: {  	v18 =	vld [tilespmem:s24+$0xCB70]  }
0x47: {  	v23 =	vld [tilespmem:s24+$0xCB80]  }
0x48: {  	v24 =	vld [tilespmem:s24+$0xCB90]  }
0x49: {  	v25 =	vld [tilespmem:s24+$0xCBA0]  }
0x4a: {  	v15 =	vld [tilespmem:s24+$0xCBB0]  }
0x4b: {  	v16 =	vld [tilespmem:s24+$0xCBC0]  }
0x4c: {  	v32 =	vld [tilespmem:s24+$0xCAF0]  }
0x4d: {  	v34 =	vld [tilespmem:s24+$0xCB00]  }
0x4e: {  	v31 =	vld [tilespmem:s24+$0xCB10]  }
0x4f: {  	v33 =	vld [tilespmem:s24+$0xCB20]  }
0x50: {  	v17 =	vld [tilespmem:s24+$0xCB30]  }
0x51: {  	v13 =	vld [tilespmem:s24+$0xCA70]  }
0x52: {  	v14 =	vld [tilespmem:s24+$0xCA80]  }
0x53: {  	v19 =	vld [tilespmem:s24+$0xC9F0]  }
0x54: {  	v20 =	vld [tilespmem:s24+$0xCA00]  }
0x55: {  	v21 =	vld [tilespmem:s24+$0xCA10]  }
0x56: {  	v22 =	vld [tilespmem:s24+$0xCA20]  }
0x57: {  	v28 =	vld [tilespmem:s24+$0xCA90]  }
0x58: {  	v29 =	vld [tilespmem:s24+$0xCAA0]  }
0x59: {  	v27 =	vimm.f32 $0.0e+00;
	v26 =	vld [tilespmem:s24+$0xCB40]  }
0x5a: {  	v35 =	vld [tilespmem:s24+$0xCAB0];
	v19 =	vadd.f32 v19, v27  }
0x5b: {  	v36 =	vld [tilespmem:s24+$0xCAC0];
	v20 =	vadd.f32 v20, v27;
	v21 =	vadd.f32 v21, v27  }
0x5c: {  	v37 =	vld [tilespmem:s24+$0xCA30];
	v22 =	vadd.f32 v22, v27;
	v40 =	vadd.f32 v13, v19  }
0x5d: {  	v30 =	vimm.f32 $0.0e+00;
	v38 =	vld [tilespmem:s24+$0xCA40];
	v41 =	vadd.f32 v14, v20;
	v42 =	vadd.f32 v28, v21  }
0x5e: {  	s23 =	simm.s32 $0x800;
	v39 =	vld [tilespmem:s24+$0xCA50];
	v43 =	vadd.f32 v29, v22;
	v28 =	vimm.f32 $0.0e+00;
	v29 =	vimm.f32 $0.0e+00  }
.LBB2_3:
0x5f: {  	p0 =	sne.s32 s23, $0xC000;
	v13 =	vld [tilespmem:s24+$0xCA60];
	v14 =	vadd.f32 v32, v40;
	v19 =	vadd.f32 v34, v41  }
0x60: {  	v20 =	vld [tilespmem:s24+$0xCAD0];
	v21 =	vadd.f32 v31, v42;
	v22 =	vadd.f32 v33, v43  }
0x61: {  	v31 =	vld [tilespmem:s24+$0xCAE0];
	v14 =	vadd.f32 v18, v14;
	v19 =	vadd.f32 v23, v19  }
0x62: {  	v32 =	vld [tilespmem:s24+$0xCB50];
	v21 =	vadd.f32 v24, v21;
	v22 =	vadd.f32 v25, v22  }
0x63: {  	v18 =	vadd.f32 v37, v27;
	v23 =	vadd.f32 v38, v30;
	v25 =	vld [tilespmem:s24+$0xCB60]  }
0x64: {  	v24 =	vadd.f32 v39, v28;
	v13 =	vadd.f32 v13, v29;
	v28 =	vld [tilespmem:s24+$0xCBD0]  }
0x65: {  	v27 =	vadd.f32 v35, v18;
	v29 =	vadd.f32 v36, v23;
	v33 =	vld [tilespmem:s24+$0xCBE0];
	s24 =	sshra.s32 s23, $0x2  }
0x66: {  	v20 =	vadd.f32 v20, v24;
	v18 =	vld [tilespmem:s24+$0xCB70];
	v13 =	vadd.f32 v31, v13  }
0x67: {  	v17 =	vadd.f32 v17, v27;
	v26 =	vadd.f32 v26, v29;
	v23 =	vld [tilespmem:s24+$0xCB80]  }
0x68: {  	v20 =	vadd.f32 v32, v20;
	v24 =	vld [tilespmem:s24+$0xCB90];
	v13 =	vadd.f32 v25, v13  }
0x69: {  	v27 =	vadd.f32 v15, v17;
	v30 =	vadd.f32 v16, v26;
	v25 =	vld [tilespmem:s24+$0xCBA0]  }
0x6a: {  	v28 =	vadd.f32 v28, v20;
	v15 =	vld [tilespmem:s24+$0xCBB0];
	v29 =	vadd.f32 v33, v13  }
0x6b: {  	v16 =	vld [tilespmem:s24+$0xCBC0]  }
0x6c: {  	v32 =	vld [tilespmem:s24+$0xCAF0]  }
0x6d: {  	v34 =	vld [tilespmem:s24+$0xCB00]  }
0x6e: {  	v31 =	vld [tilespmem:s24+$0xCB10]  }
0x6f: {  	v33 =	vld [tilespmem:s24+$0xCB20]  }
0x70: {  	v17 =	vld [tilespmem:s24+$0xCB30]  }
0x71: {  	v26 =	vld [tilespmem:s24+$0xCB40]  }
0x72: {  	v13 =	vld [tilespmem:s24+$0xCA70]  }
0x73: {  	v20 =	vld [tilespmem:s24+$0xCA80]  }
0x74: {  	v36 =	vld [tilespmem:s24+$0xC9F0]  }
0x75: {  	v37 =	vld [tilespmem:s24+$0xCA00]  }
0x76: {  	v38 =	vld [tilespmem:s24+$0xCA10]  }
0x77: {  	v39 =	vld [tilespmem:s24+$0xCA20]  }
0x78: {  	v42 =	vld [tilespmem:s24+$0xCA90]  }
0x79: {  	v43 =	vld [tilespmem:s24+$0xCAA0]  }
.Ltmp0:
0x7a: {  	v35 =	vld [tilespmem:s24+$0xCAB0];
	(pc) =	sbr.rel @p0 .LBB2_3-.Ltmp0, $4  }
0x7b: {  	v14 =	vadd.f32 v36, v14;
	v19 =	vadd.f32 v37, v19;
	v36 =	vld [tilespmem:s24+$0xCAC0]  }
0x7c: {  	v21 =	vadd.f32 v38, v21;
	v22 =	vadd.f32 v39, v22;
	v37 =	vld [tilespmem:s24+$0xCA30]  }
0x7d: {  	v40 =	vadd.f32 v13, v14;
	v41 =	vadd.f32 v20, v19;
	v38 =	vld [tilespmem:s24+$0xCA40]  }
0x7e: {  	s23 =	sadd.s32 $0x800, s23;
	v42 =	vadd.f32 v42, v21;
	v39 =	vld [tilespmem:s24+$0xCA50];
	v43 =	vadd.f32 v43, v22  }
0x7f: {  	v44 =	vld [tilespmem:s24+$0xCA60]  }
0x80: {  	v45 =	vld [tilespmem:s24+$0xCAD0]  }
0x81: {  	v46 =	vld [tilespmem:s24+$0xCAE0];
	s23 =	sshll.u32 s22, $0x1  }
0x82: {  	v47 =	vld [tilespmem:s24+$0xCB50];
	p0 =	seq.s32 s22, $0x3F;
	s25 =	sadd.s32 $0x2, s23  }
0x83: {  	v48 =	vld [tilespmem:s24+$0xCB60];
	s25 =	smul.u32 @!p0 $0x320, s25  }
0x84: {  	v49 =	vld [tilespmem:s24+$0xCBD0]  }
0x85: {  	v50 =	vld [tilespmem:s24+$0xCBE0];
	s26 =	simm.s32 @!p0 $0xC9F0;
	s24 =	sshra.s32 @!p0 s25, $0x2;
	s25 =	simm.s32 @!p0 $0x80  }
0x86: {  	[tilespmem:s26], [sflag:$0x1] =	stream.indirect.gather @!p0 [hbm4b:s3+s25], $0x40, s24, s25, $0xb8;
	[tilespmem:$0x199F0] =	vst v63  }
0x87: {  	s28 =	simm.s32 @!p0 $0xE9F0;
	s25 =	sadd.s32 @!p0 $0x80, s24;
	s26 =	simm.s32 @!p0 $0x48  }
0x88: {  	[tilespmem:s28], [sflag:$0x1] =	stream.indirect.gather @!p0 [hbm4b:s3+s26], $0x40, s25, s26, $0xb8;
	[tilespmem:$0x199F0] =	vst v63  }
0x89: {  	_ =	swait.ge [sflag:s15], $0x3200  }
0x8a: {  	[sflag:s15] =	ssyncset.done $0x0  }
0x8b: {  	s25 =	simm.s32 $0x0;
	[sflag:s15] =	ssyncadd.s32 $0xFFFFCE00  }
0x8c: {  	v22 =	vld [tilespmem:s25+$0xFD70]  }
0x8d: {  	v21 =	vld [tilespmem:s25+$0xFD80]  }
0x8e: {  	v20 =	vld [tilespmem:s25+$0xFD90]  }
0x8f: {  	v19 =	vld [tilespmem:s25+$0xFDA0]  }
0x90: {  	v13 =	vld [tilespmem:s25+$0xFDB0]  }
0x91: {  	v14 =	vld [tilespmem:s25+$0xFDC0]  }
0x92: {  	v40 =	vadd.f32 v32, v40;
	v34 =	vadd.f32 v34, v41;
	v32 =	vld [tilespmem:s25+$0xFCF0]  }
0x93: {  	v53 =	vadd.f32 v31, v42;
	v54 =	vadd.f32 v33, v43;
	v31 =	vld [tilespmem:s25+$0xFD00]  }
0x94: {  	v18 =	vadd.f32 v18, v40;
	v55 =	vadd.f32 v23, v34;
	v33 =	vld [tilespmem:s25+$0xFD10]  }
0x95: {  	v27 =	vadd.f32 v37, v27;
	v24 =	vadd.f32 v24, v53;
	v34 =	vld [tilespmem:s25+$0xFD20]  }
0x96: {  	v25 =	vadd.f32 v25, v54;
	v30 =	vadd.f32 v38, v30;
	v23 =	vld [tilespmem:s25+$0xFD30]  }
0x97: {  	v28 =	vadd.f32 v39, v28;
	v29 =	vadd.f32 v44, v29;
	v56 =	vld [tilespmem:s25+$0xFC70]  }
0x98: {  	v27 =	vadd.f32 v35, v27;
	v30 =	vadd.f32 v36, v30;
	v57 =	vld [tilespmem:s25+$0xFC80]  }
0x99: {  	v28 =	vadd.f32 v45, v28;
	v29 =	vadd.f32 v46, v29;
	v58 =	vld [tilespmem:s25+$0xFBF0]  }
0x9a: {  	v17 =	vadd.f32 v17, v27;
	v26 =	vadd.f32 v26, v30;
	v27 =	vld [tilespmem:s25+$0xFC00]  }
0x9b: {  	v28 =	vadd.f32 v47, v28;
	v29 =	vadd.f32 v48, v29;
	v59 =	vld [tilespmem:s25+$0xFC10]  }
0x9c: {  	v15 =	vadd.f32 v15, v17;
	v16 =	vadd.f32 v16, v26;
	v60 =	vld [tilespmem:s25+$0xFC20]  }
0x9d: {  	v26 =	vadd.f32 v49, v28;
	v28 =	vadd.f32 v50, v29;
	v61 =	vld [tilespmem:s25+$0xFC90]  }
0x9e: {  	v18 =	vadd.f32 v15, v18;
	v17 =	vadd.f32 v16, v55;
	v62 =	vld [tilespmem:s25+$0xFCA0]  }
0x9f: {  	v29 =	vld [tilespmem:s25+$0xFCB0];
	v16 =	vadd.f32 v26, v24;
	v26 =	vimm.f32 $0.0e+00;
	v15 =	vadd.f32 v28, v25  }
0xa0: {  	v30 =	vld [tilespmem:s25+$0xFCC0];
	v25 =	vadd.f32 v58, v26;
	v27 =	vadd.f32 v27, v26  }
0xa1: {  	v37 =	vld [tilespmem:s25+$0xFC30];
	v28 =	vadd.f32 v59, v26;
	v63 =	vadd.f32 v60, v26  }
0xa2: {  	v36 =	vld [tilespmem:s25+$0xFC40];
	v38 =	vadd.f32 v56, v25;
	v39 =	vadd.f32 v57, v27  }
0xa3: {  	v35 =	vld [tilespmem:s25+$0xFC50];
	v40 =	vadd.f32 v61, v28;
	v41 =	vadd.f32 v62, v63  }
0xa4: {  	s26 =	simm.s32 $0x800;
	v24 =	vld [tilespmem:s25+$0xFD40];
	v28 =	vimm.f32 $0.0e+00;
	v27 =	vimm.f32 $0.0e+00;
	v25 =	vimm.f32 $0.0e+00  }
.LBB2_5:
0xa5: {  	p1 =	sne.s32 s26, $0xC000;
	v42 =	vld [tilespmem:s25+$0xFC60];
	v32 =	vadd.f32 v32, v38;
	v31 =	vadd.f32 v31, v39  }
0xa6: {  	v38 =	vld [tilespmem:s25+$0xFCD0];
	v33 =	vadd.f32 v33, v40;
	v34 =	vadd.f32 v34, v41  }
0xa7: {  	v39 =	vld [tilespmem:s25+$0xFCE0];
	v40 =	vadd.f32 v22, v32;
	v41 =	vadd.f32 v21, v31  }
0xa8: {  	v31 =	vld [tilespmem:s25+$0xFD50];
	v43 =	vadd.f32 v20, v33;
	v44 =	vadd.f32 v19, v34  }
0xa9: {  	v19 =	vadd.f32 v37, v26;
	v20 =	vadd.f32 v36, v28;
	v26 =	vld [tilespmem:s25+$0xFD60]  }
0xaa: {  	v21 =	vadd.f32 v35, v27;
	v25 =	vadd.f32 v42, v25;
	v27 =	vld [tilespmem:s25+$0xFDD0]  }
0xab: {  	v19 =	vadd.f32 v29, v19;
	v20 =	vadd.f32 v30, v20;
	v29 =	vld [tilespmem:s25+$0xFDE0];
	s25 =	sshra.s32 s26, $0x2  }
0xac: {  	v28 =	vadd.f32 v38, v21;
	v22 =	vld [tilespmem:s25+$0xFD70];
	v25 =	vadd.f32 v39, v25  }
0xad: {  	v23 =	vadd.f32 v23, v19;
	v24 =	vadd.f32 v24, v20;
	v21 =	vld [tilespmem:s25+$0xFD80]  }
0xae: {  	v30 =	vadd.f32 v31, v28;
	v20 =	vld [tilespmem:s25+$0xFD90];
	v25 =	vadd.f32 v26, v25  }
0xaf: {  	v26 =	vadd.f32 v13, v23;
	v28 =	vadd.f32 v14, v24;
	v19 =	vld [tilespmem:s25+$0xFDA0]  }
0xb0: {  	v27 =	vadd.f32 v27, v30;
	v13 =	vld [tilespmem:s25+$0xFDB0];
	v25 =	vadd.f32 v29, v25  }
0xb1: {  	v14 =	vld [tilespmem:s25+$0xFDC0]  }
0xb2: {  	v32 =	vld [tilespmem:s25+$0xFCF0]  }
0xb3: {  	v31 =	vld [tilespmem:s25+$0xFD00]  }
0xb4: {  	v33 =	vld [tilespmem:s25+$0xFD10]  }
0xb5: {  	v34 =	vld [tilespmem:s25+$0xFD20]  }
0xb6: {  	v23 =	vld [tilespmem:s25+$0xFD30]  }
0xb7: {  	v24 =	vld [tilespmem:s25+$0xFD40]  }
0xb8: {  	v35 =	vld [tilespmem:s25+$0xFC70]  }
0xb9: {  	v39 =	vld [tilespmem:s25+$0xFC80]  }
0xba: {  	v30 =	vld [tilespmem:s25+$0xFBF0]  }
0xbb: {  	v36 =	vld [tilespmem:s25+$0xFC00]  }
0xbc: {  	v37 =	vld [tilespmem:s25+$0xFC10]  }
0xbd: {  	v38 =	vld [tilespmem:s25+$0xFC20]  }
0xbe: {  	v42 =	vld [tilespmem:s25+$0xFC90]  }
0xbf: {  	v45 =	vld [tilespmem:s25+$0xFCA0]  }
.Ltmp1:
0xc0: {  	v29 =	vld [tilespmem:s25+$0xFCB0];
	(pc) =	sbr.rel @p1 .LBB2_5-.Ltmp1, $4  }
0xc1: {  	v40 =	vadd.f32 v30, v40;
	v41 =	vadd.f32 v36, v41;
	v30 =	vld [tilespmem:s25+$0xFCC0]  }
0xc2: {  	v43 =	vadd.f32 v37, v43;
	v44 =	vadd.f32 v38, v44;
	v37 =	vld [tilespmem:s25+$0xFC30]  }
0xc3: {  	v38 =	vadd.f32 v35, v40;
	v39 =	vadd.f32 v39, v41;
	v36 =	vld [tilespmem:s25+$0xFC40]  }
0xc4: {  	s26 =	sadd.s32 $0x800, s26;
	v40 =	vadd.f32 v42, v43;
	v35 =	vld [tilespmem:s25+$0xFC50];
	v41 =	vadd.f32 v45, v44  }
0xc5: {  	v42 =	vld [tilespmem:s25+$0xFC60]  }
0xc6: {  	v43 =	vld [tilespmem:s25+$0xFCD0]  }
0xc7: {  	v44 =	vld [tilespmem:s25+$0xFCE0]  }
0xc8: {  	v45 =	vld [tilespmem:s25+$0xFD50];
	v32 =	vadd.f32 v32, v38  }
0xc9: {  	v31 =	vadd.f32 v31, v39;
	v61 =	vld [tilespmem:s25+$0xFD60];
	v33 =	vadd.f32 v33, v40  }
0xca: {  	v62 =	vld [tilespmem:s25+$0xFDD0];
	v34 =	vadd.f32 v34, v41;
	v26 =	vadd.f32 v37, v26  }
0xcb: {  	v63 =	vld [tilespmem:s25+$0xFDE0];
	s25 =	sadd.s32 @!p0 $0x6400, s24;
	s26 =	simm.s32 @!p0 $0x80;
	s28 =	simm.s32 @!p0 $0xFBF0;
	v22 =	vadd.f32 v22, v32;
	v28 =	vadd.f32 v36, v28  }
0xcc: {  	[tilespmem:s28], [sflag:$0x3] =	stream.indirect.gather @!p0 [hbm4b:s3+s26], $0x40, s25, s26, $0xb8;
	v21 =	vadd.f32 v21, v31;
	v26 =	vadd.f32 v29, v26;
	[tilespmem:$0x199F0] =	vst v63  }
0xcd: {  	s24 =	sadd.s32 @!p0 $0x6480, s24;
	s25 =	simm.s32 @!p0 $0x48;
	s26 =	simm.s32 @!p0 $0x11BF0;
	v27 =	vadd.f32 v35, v27;
	v28 =	vadd.f32 v30, v28  }
0xce: {  	v20 =	vadd.f32 v20, v33;
	[tilespmem:s26], [sflag:$0x3] =	stream.indirect.gather @!p0 [hbm4b:s3+s25], $0x40, s24, s25, $0xb8;
	v23 =	vadd.f32 v23, v26;
	[tilespmem:$0x199F0] =	vst v63  }
0xcf: {  	v26 =	vld.msk [tilespmem:s23+$0xC800 ss:$0x0], $0xffff;
	v27 =	vadd.f32 v43, v27;
	v24 =	vadd.f32 v24, v28  }
0xd0: {  	v25 =	vadd.f32 v42, v25;
	v28 =	vld.msk [tilespmem:s23+$0xC890 ss:$0x0], $0xffff;
	v13 =	vadd.f32 v13, v23  }
0xd1: {  	v23 =	vadd.f32 v45, v27;
	v14 =	vadd.f32 v14, v24  }
0xd2: {  	v24 =	vadd.f32 v44, v25;
	v13 =	vadd.f32 v13, v22  }
0xd3: {  	v22 =	vadd.f32 v62, v23;
	v14 =	vadd.f32 v14, v21  }
0xd4: {  	v21 =	vadd.f32 v61, v24;
	v18 =	vmul.f32 v26, v18;
	v17 =	vmul.f32 v26, v17  }
0xd5: {  	v13 =	vmul.f32 v28, v13;
	v20 =	vadd.f32 v22, v20;
	v14 =	vmul.f32 v28, v14  }
0xd6: {  	v19 =	vadd.f32 v19, v34;
	v16 =	vmul.f32 v26, v16;
	v21 =	vadd.f32 v63, v21  }
0xd7: {  	v13 =	vadd.f32 v13, v18;
	v14 =	vadd.f32 v14, v17;
	v17 =	vmul.f32 v28, v20  }
0xd8: {  	v18 =	vadd.f32 v21, v19  }
0xd9: {  	v16 =	vadd.f32 v17, v16;
	v17 =	vmul.f32 v13, v0;
	v19 =	vmul.f32 v14, v1  }
0xda: {  	v15 =	vmul.f32 v26, v15;
	v18 =	vmul.f32 v28, v18  }
0xdb: {  	v17 =	vadd.f32 v19, v17;
	v19 =	vmul.f32 v16, v2  }
0xdc: {  	v20 =	vmul.f32 v14, v5;
	v15 =	vadd.f32 v18, v15;
	v18 =	vmul.f32 v13, v4  }
0xdd: {  	v14 =	vmul.f32 v14, v9;
	v13 =	vmul.f32 v13, v8;
	v17 =	vadd.f32 v17, v19  }
0xde: {  	v19 =	vmul.f32 v15, v3;
	v18 =	vadd.f32 v20, v18;
	v20 =	vmul.f32 v16, v6  }
0xdf: {  	v13 =	vadd.f32 v14, v13;
	v14 =	vmul.f32 v16, v10  }
0xe0: {  	v17 =	vadd.f32 v17, v19;
	v18 =	vadd.f32 v18, v20;
	v19 =	vmul.f32 v15, v7;
	_ =	sdelay $0x1  }
0xe1: {  	v13 =	vadd.f32 v13, v14;
	v14 =	vmul.f32 v15, v11;
	(xrf2) =	vadd.scan.msk.f32 $0xffff, v17;
	v16 =	vadd.f32 v18, v19;
	_ =	sdelay $0x1  }
0xe2: {  	v13 =	vadd.f32 v13, v14;
	(xrf2) =	vadd.scan.msk.f32 $0xffff, v16;
	_ =	sdelay $0x1  }
0xe3: {  	(xrf2) =	vadd.scan.msk.f32 $0xffff, v13;
	_ =	sdelay $0x5  }
0xe4: {  	v13, _, _ =	vpop (xrf2)  }
0xe5: {  	v13 =	vbroadcast v13, $0xF  }
0xe6: {  	v14, _, _ =	vpop (xrf2)  }
0xe7: {  	v13 =	vnsel vm0, $0x0, v13;
	v14 =	vbroadcast v14, $0xF  }
0xe8: {  	v15, _, _ =	vpop (xrf2);
	v13 =	vadd.f32 v13, v12  }
0xe9: {  	v15 =	vbroadcast v15, $0xF;
	v14 =	vnsel vm1, $0x0, v14  }
0xea: {  	v13 =	vadd.f32 v13, v14  }
0xeb: {  	v14 =	vnsel vm2, $0x0, v15  }
0xec: {  	s29 =	sshll.u32 s22, $0x5;
	v13 =	vadd.f32 v13, v14  }
0xed: {  	s24 =	sand.u32 $0x3FFFFFE0, s29  }
0xee: {  	[tilespmem:s24+$0x191F0] =	vst v13  }
0xef: {  	_ =	swait.ge [sflag:s16], $0x3200  }
0xf0: {  	[sflag:s16] =	ssyncset.done $0x0  }
0xf1: {  	s25 =	simm.s32 $0x0;
	[sflag:s16] =	ssyncadd.s32 $0xFFFFCE00  }
0xf2: {  	v18 =	vld [tilespmem:s25+$0x12F70]  }
0xf3: {  	v23 =	vld [tilespmem:s25+$0x12F80]  }
0xf4: {  	v24 =	vld [tilespmem:s25+$0x12F90]  }
0xf5: {  	v25 =	vld [tilespmem:s25+$0x12FA0]  }
0xf6: {  	v15 =	vld [tilespmem:s25+$0x12FB0]  }
0xf7: {  	v16 =	vld [tilespmem:s25+$0x12FC0]  }
0xf8: {  	v31 =	vld [tilespmem:s25+$0x12EF0]  }
0xf9: {  	v34 =	vld [tilespmem:s25+$0x12F00]  }
0xfa: {  	v32 =	vld [tilespmem:s25+$0x12F10]  }
0xfb: {  	v33 =	vld [tilespmem:s25+$0x12F20]  }
0xfc: {  	v17 =	vld [tilespmem:s25+$0x12F30]  }
0xfd: {  	v13 =	vld [tilespmem:s25+$0x12E70]  }
0xfe: {  	v14 =	vld [tilespmem:s25+$0x12E80]  }
0xff: {  	v19 =	vld [tilespmem:s25+$0x12DF0]  }
0x100: {  	v20 =	vld [tilespmem:s25+$0x12E00]  }
0x101: {  	v21 =	vld [tilespmem:s25+$0x12E10]  }
0x102: {  	v22 =	vld [tilespmem:s25+$0x12E20]  }
0x103: {  	v28 =	vld [tilespmem:s25+$0x12E90]  }
0x104: {  	v29 =	vld [tilespmem:s25+$0x12EA0]  }
0x105: {  	v27 =	vimm.f32 $0.0e+00;
	v26 =	vld [tilespmem:s25+$0x12F40]  }
0x106: {  	v35 =	vld [tilespmem:s25+$0x12EB0];
	v19 =	vadd.f32 v19, v27  }
0x107: {  	v36 =	vld [tilespmem:s25+$0x12EC0];
	v20 =	vadd.f32 v20, v27;
	v21 =	vadd.f32 v21, v27  }
0x108: {  	v37 =	vld [tilespmem:s25+$0x12E30];
	v22 =	vadd.f32 v22, v27;
	v40 =	vadd.f32 v13, v19  }
0x109: {  	v30 =	vimm.f32 $0.0e+00;
	v38 =	vld [tilespmem:s25+$0x12E40];
	v41 =	vadd.f32 v14, v20;
	v42 =	vadd.f32 v28, v21  }
0x10a: {  	s26 =	simm.s32 $0x800;
	v39 =	vld [tilespmem:s25+$0x12E50];
	v43 =	vadd.f32 v29, v22;
	v28 =	vimm.f32 $0.0e+00;
	v29 =	vimm.f32 $0.0e+00  }
.LBB2_7:
0x10b: {  	p1 =	sne.s32 s26, $0xC000;
	v13 =	vld [tilespmem:s25+$0x12E60];
	v14 =	vadd.f32 v31, v40;
	v19 =	vadd.f32 v34, v41  }
0x10c: {  	v20 =	vld [tilespmem:s25+$0x12ED0];
	v21 =	vadd.f32 v32, v42;
	v22 =	vadd.f32 v33, v43  }
0x10d: {  	v31 =	vld [tilespmem:s25+$0x12EE0];
	v14 =	vadd.f32 v18, v14;
	v19 =	vadd.f32 v23, v19  }
0x10e: {  	v32 =	vld [tilespmem:s25+$0x12F50];
	v21 =	vadd.f32 v24, v21;
	v22 =	vadd.f32 v25, v22  }
0x10f: {  	v18 =	vadd.f32 v37, v27;
	v23 =	vadd.f32 v38, v30;
	v25 =	vld [tilespmem:s25+$0x12F60]  }
0x110: {  	v24 =	vadd.f32 v39, v28;
	v13 =	vadd.f32 v13, v29;
	v28 =	vld [tilespmem:s25+$0x12FD0]  }
0x111: {  	v27 =	vadd.f32 v35, v18;
	v29 =	vadd.f32 v36, v23;
	v33 =	vld [tilespmem:s25+$0x12FE0];
	s25 =	sshra.s32 s26, $0x2  }
0x112: {  	v20 =	vadd.f32 v20, v24;
	v18 =	vld [tilespmem:s25+$0x12F70];
	v13 =	vadd.f32 v31, v13  }
0x113: {  	v17 =	vadd.f32 v17, v27;
	v26 =	vadd.f32 v26, v29;
	v23 =	vld [tilespmem:s25+$0x12F80]  }
0x114: {  	v20 =	vadd.f32 v32, v20;
	v24 =	vld [tilespmem:s25+$0x12F90];
	v13 =	vadd.f32 v25, v13  }
0x115: {  	v27 =	vadd.f32 v15, v17;
	v30 =	vadd.f32 v16, v26;
	v25 =	vld [tilespmem:s25+$0x12FA0]  }
0x116: {  	v28 =	vadd.f32 v28, v20;
	v15 =	vld [tilespmem:s25+$0x12FB0];
	v29 =	vadd.f32 v33, v13  }
0x117: {  	v16 =	vld [tilespmem:s25+$0x12FC0]  }
0x118: {  	v31 =	vld [tilespmem:s25+$0x12EF0]  }
0x119: {  	v34 =	vld [tilespmem:s25+$0x12F00]  }
0x11a: {  	v32 =	vld [tilespmem:s25+$0x12F10]  }
0x11b: {  	v33 =	vld [tilespmem:s25+$0x12F20]  }
0x11c: {  	v17 =	vld [tilespmem:s25+$0x12F30]  }
0x11d: {  	v26 =	vld [tilespmem:s25+$0x12F40]  }
0x11e: {  	v13 =	vld [tilespmem:s25+$0x12E70]  }
0x11f: {  	v20 =	vld [tilespmem:s25+$0x12E80]  }
0x120: {  	v36 =	vld [tilespmem:s25+$0x12DF0]  }
0x121: {  	v37 =	vld [tilespmem:s25+$0x12E00]  }
0x122: {  	v38 =	vld [tilespmem:s25+$0x12E10]  }
0x123: {  	v39 =	vld [tilespmem:s25+$0x12E20]  }
0x124: {  	v42 =	vld [tilespmem:s25+$0x12E90]  }
0x125: {  	v43 =	vld [tilespmem:s25+$0x12EA0]  }
.Ltmp2:
0x126: {  	v35 =	vld [tilespmem:s25+$0x12EB0];
	(pc) =	sbr.rel @p1 .LBB2_7-.Ltmp2, $4  }
0x127: {  	v14 =	vadd.f32 v36, v14;
	v19 =	vadd.f32 v37, v19;
	v36 =	vld [tilespmem:s25+$0x12EC0]  }
0x128: {  	v21 =	vadd.f32 v38, v21;
	v22 =	vadd.f32 v39, v22;
	v37 =	vld [tilespmem:s25+$0x12E30]  }
0x129: {  	v40 =	vadd.f32 v13, v14;
	v41 =	vadd.f32 v20, v19;
	v38 =	vld [tilespmem:s25+$0x12E40]  }
0x12a: {  	s26 =	sadd.s32 $0x800, s26;
	v42 =	vadd.f32 v42, v21;
	v39 =	vld [tilespmem:s25+$0x12E50];
	v43 =	vadd.f32 v43, v22  }
0x12b: {  	v44 =	vld [tilespmem:s25+$0x12E60]  }
0x12c: {  	v45 =	vld [tilespmem:s25+$0x12ED0]  }
0x12d: {  	v46 =	vld [tilespmem:s25+$0x12EE0]  }
0x12e: {  	v47 =	vld [tilespmem:s25+$0x12F50];
	s26 =	sadd.s32 $0x3, s23  }
0x12f: {  	v48 =	vld [tilespmem:s25+$0x12F60];
	s26 =	smul.u32 @!p0 $0x320, s26  }
0x130: {  	v49 =	vld [tilespmem:s25+$0x12FD0]  }
0x131: {  	v50 =	vld [tilespmem:s25+$0x12FE0];
	s28 =	simm.s32 @!p0 $0x12DF0;
	s25 =	sshra.s32 @!p0 s26, $0x2;
	s26 =	simm.s32 @!p0 $0x80  }
0x132: {  	[tilespmem:s28], [sflag:$0x2] =	stream.indirect.gather @!p0 [hbm4b:s3+s26], $0x40, s25, s26, $0xb8;
	[tilespmem:$0x199F0] =	vst v63  }
0x133: {  	s29 =	simm.s32 @!p0 $0x14DF0;
	s26 =	sadd.s32 @!p0 $0x80, s25;
	s28 =	simm.s32 @!p0 $0x48  }
0x134: {  	[tilespmem:s29], [sflag:$0x2] =	stream.indirect.gather @!p0 [hbm4b:s3+s28], $0x40, s26, s28, $0xb8;
	[tilespmem:$0x199F0] =	vst v63  }
0x135: {  	_ =	swait.ge [sflag:s17], $0x3200  }
0x136: {  	[sflag:s17] =	ssyncset.done $0x0  }
0x137: {  	s26 =	simm.s32 $0x0;
	[sflag:s17] =	ssyncadd.s32 $0xFFFFCE00  }
0x138: {  	v22 =	vld [tilespmem:s26+$0x16170]  }
0x139: {  	v21 =	vld [tilespmem:s26+$0x16180]  }
0x13a: {  	v20 =	vld [tilespmem:s26+$0x16190]  }
0x13b: {  	v19 =	vld [tilespmem:s26+$0x161A0]  }
0x13c: {  	v13 =	vld [tilespmem:s26+$0x161B0]  }
0x13d: {  	v14 =	vld [tilespmem:s26+$0x161C0]  }
0x13e: {  	v40 =	vadd.f32 v31, v40;
	v34 =	vadd.f32 v34, v41;
	v31 =	vld [tilespmem:s26+$0x160F0]  }
0x13f: {  	v53 =	vadd.f32 v32, v42;
	v54 =	vadd.f32 v33, v43;
	v32 =	vld [tilespmem:s26+$0x16100]  }
0x140: {  	v18 =	vadd.f32 v18, v40;
	v55 =	vadd.f32 v23, v34;
	v33 =	vld [tilespmem:s26+$0x16110]  }
0x141: {  	v27 =	vadd.f32 v37, v27;
	v24 =	vadd.f32 v24, v53;
	v34 =	vld [tilespmem:s26+$0x16120]  }
0x142: {  	v25 =	vadd.f32 v25, v54;
	v30 =	vadd.f32 v38, v30;
	v23 =	vld [tilespmem:s26+$0x16130]  }
0x143: {  	v28 =	vadd.f32 v39, v28;
	v29 =	vadd.f32 v44, v29;
	v56 =	vld [tilespmem:s26+$0x16070]  }
0x144: {  	v27 =	vadd.f32 v35, v27;
	v30 =	vadd.f32 v36, v30;
	v57 =	vld [tilespmem:s26+$0x16080]  }
0x145: {  	v28 =	vadd.f32 v45, v28;
	v29 =	vadd.f32 v46, v29;
	v58 =	vld [tilespmem:s26+$0x15FF0]  }
0x146: {  	v17 =	vadd.f32 v17, v27;
	v26 =	vadd.f32 v26, v30;
	v27 =	vld [tilespmem:s26+$0x16000]  }
0x147: {  	v28 =	vadd.f32 v47, v28;
	v29 =	vadd.f32 v48, v29;
	v59 =	vld [tilespmem:s26+$0x16010]  }
0x148: {  	v15 =	vadd.f32 v15, v17;
	v16 =	vadd.f32 v16, v26;
	v60 =	vld [tilespmem:s26+$0x16020]  }
0x149: {  	v26 =	vadd.f32 v49, v28;
	v61 =	vld [tilespmem:s26+$0x16090];
	v28 =	vadd.f32 v50, v29  }
0x14a: {  	v18 =	vadd.f32 v15, v18;
	v62 =	vld [tilespmem:s26+$0x160A0];
	v17 =	vadd.f32 v16, v55  }
0x14b: {  	v30 =	vld [tilespmem:s26+$0x160C0];
	v16 =	vadd.f32 v26, v24;
	v26 =	vimm.f32 $0.0e+00;
	v15 =	vadd.f32 v28, v25  }
0x14c: {  	v37 =	vld [tilespmem:s26+$0x16030];
	v25 =	vadd.f32 v58, v26;
	v27 =	vadd.f32 v27, v26  }
0x14d: {  	v36 =	vld [tilespmem:s26+$0x16040];
	v28 =	vadd.f32 v59, v26;
	v63 =	vadd.f32 v60, v26  }
0x14e: {  	v35 =	vld [tilespmem:s26+$0x16050];
	v38 =	vadd.f32 v56, v25;
	v39 =	vadd.f32 v57, v27  }
0x14f: {  	v29 =	vld [tilespmem:s26+$0x160B0];
	v40 =	vadd.f32 v61, v28;
	v41 =	vadd.f32 v62, v63  }
0x150: {  	s28 =	simm.s32 $0x800;
	v24 =	vld [tilespmem:s26+$0x16140];
	v28 =	vimm.f32 $0.0e+00;
	v27 =	vimm.f32 $0.0e+00;
	v25 =	vimm.f32 $0.0e+00  }
.LBB2_9:
0x151: {  	p1 =	sne.s32 s28, $0xC000;
	v42 =	vld [tilespmem:s26+$0x16060];
	v31 =	vadd.f32 v31, v38;
	v32 =	vadd.f32 v32, v39  }
0x152: {  	v38 =	vld [tilespmem:s26+$0x160D0];
	v33 =	vadd.f32 v33, v40;
	v34 =	vadd.f32 v34, v41  }
0x153: {  	v39 =	vld [tilespmem:s26+$0x160E0];
	v40 =	vadd.f32 v22, v31;
	v41 =	vadd.f32 v21, v32  }
0x154: {  	v31 =	vld [tilespmem:s26+$0x16150];
	v43 =	vadd.f32 v20, v33;
	v44 =	vadd.f32 v19, v34  }
0x155: {  	v19 =	vadd.f32 v37, v26;
	v20 =	vadd.f32 v36, v28;
	v26 =	vld [tilespmem:s26+$0x16160]  }
0x156: {  	v21 =	vadd.f32 v35, v27;
	v25 =	vadd.f32 v42, v25;
	v27 =	vld [tilespmem:s26+$0x161D0]  }
0x157: {  	v19 =	vadd.f32 v29, v19;
	v20 =	vadd.f32 v30, v20;
	v29 =	vld [tilespmem:s26+$0x161E0];
	s26 =	sshra.s32 s28, $0x2  }
0x158: {  	v28 =	vadd.f32 v38, v21;
	v22 =	vld [tilespmem:s26+$0x16170];
	v25 =	vadd.f32 v39, v25  }
0x159: {  	v23 =	vadd.f32 v23, v19;
	v24 =	vadd.f32 v24, v20;
	v21 =	vld [tilespmem:s26+$0x16180]  }
0x15a: {  	v30 =	vadd.f32 v31, v28;
	v20 =	vld [tilespmem:s26+$0x16190];
	v25 =	vadd.f32 v26, v25  }
0x15b: {  	v26 =	vadd.f32 v13, v23;
	v28 =	vadd.f32 v14, v24;
	v19 =	vld [tilespmem:s26+$0x161A0]  }
0x15c: {  	v27 =	vadd.f32 v27, v30;
	v13 =	vld [tilespmem:s26+$0x161B0];
	v25 =	vadd.f32 v29, v25  }
0x15d: {  	v14 =	vld [tilespmem:s26+$0x161C0]  }
0x15e: {  	v31 =	vld [tilespmem:s26+$0x160F0]  }
0x15f: {  	v32 =	vld [tilespmem:s26+$0x16100]  }
0x160: {  	v33 =	vld [tilespmem:s26+$0x16110]  }
0x161: {  	v34 =	vld [tilespmem:s26+$0x16120]  }
0x162: {  	v23 =	vld [tilespmem:s26+$0x16130]  }
0x163: {  	v24 =	vld [tilespmem:s26+$0x16140]  }
0x164: {  	v35 =	vld [tilespmem:s26+$0x16070]  }
0x165: {  	v39 =	vld [tilespmem:s26+$0x16080]  }
0x166: {  	v30 =	vld [tilespmem:s26+$0x15FF0]  }
0x167: {  	v36 =	vld [tilespmem:s26+$0x16000]  }
0x168: {  	v37 =	vld [tilespmem:s26+$0x16010]  }
0x169: {  	v38 =	vld [tilespmem:s26+$0x16020]  }
0x16a: {  	v42 =	vld [tilespmem:s26+$0x16090]  }
0x16b: {  	v45 =	vld [tilespmem:s26+$0x160A0]  }
.Ltmp3:
0x16c: {  	v29 =	vld [tilespmem:s26+$0x160B0];
	(pc) =	sbr.rel @p1 .LBB2_9-.Ltmp3, $4  }
0x16d: {  	v40 =	vadd.f32 v30, v40;
	v41 =	vadd.f32 v36, v41;
	v30 =	vld [tilespmem:s26+$0x160C0]  }
0x16e: {  	v43 =	vadd.f32 v37, v43;
	v44 =	vadd.f32 v38, v44;
	v37 =	vld [tilespmem:s26+$0x16030]  }
0x16f: {  	v38 =	vadd.f32 v35, v40;
	v39 =	vadd.f32 v39, v41;
	v36 =	vld [tilespmem:s26+$0x16040]  }
0x170: {  	s28 =	sadd.s32 $0x800, s28;
	v40 =	vadd.f32 v42, v43;
	v35 =	vld [tilespmem:s26+$0x16050];
	v41 =	vadd.f32 v45, v44  }
0x171: {  	v42 =	vld [tilespmem:s26+$0x16060]  }
0x172: {  	v43 =	vld [tilespmem:s26+$0x160D0]  }
0x173: {  	v44 =	vld [tilespmem:s26+$0x160E0];
	v31 =	vadd.f32 v31, v38  }
0x174: {  	v45 =	vld [tilespmem:s26+$0x16150];
	v32 =	vadd.f32 v32, v39;
	v33 =	vadd.f32 v33, v40  }
0x175: {  	v62 =	vld [tilespmem:s26+$0x16160];
	v34 =	vadd.f32 v34, v41;
	v22 =	vadd.f32 v22, v31  }
0x176: {  	v63 =	vld [tilespmem:s26+$0x161D0];
	v26 =	vadd.f32 v37, v26;
	v21 =	vadd.f32 v21, v32  }
0x177: {  	v46 =	vld [tilespmem:s26+$0x161E0];
	s26 =	sadd.s32 @!p0 $0x6400, s25;
	s28 =	simm.s32 @!p0 $0x80;
	s29 =	simm.s32 @!p0 $0x15FF0;
	v28 =	vadd.f32 v36, v28;
	v20 =	vadd.f32 v20, v33  }
0x178: {  	[tilespmem:s29], [sflag:$0x4] =	stream.indirect.gather @!p0 [hbm4b:s3+s28], $0x40, s26, s28, $0xb8;
	v19 =	vadd.f32 v19, v34;
	v26 =	vadd.f32 v29, v26;
	[tilespmem:$0x199F0] =	vst v63  }
0x179: {  	s25 =	sadd.s32 @!p0 $0x6480, s25;
	s26 =	simm.s32 @!p0 $0x48;
	s28 =	simm.s32 @!p0 $0x17FF0;
	v27 =	vadd.f32 v35, v27;
	v28 =	vadd.f32 v30, v28  }
0x17a: {  	[tilespmem:s28], [sflag:$0x4] =	stream.indirect.gather @!p0 [hbm4b:s3+s26], $0x40, s25, s26, $0xb8;
	v25 =	vadd.f32 v42, v25;
	v23 =	vadd.f32 v23, v26;
	[tilespmem:$0x199F0] =	vst v63  }
0x17b: {  	v47 =	vld.msk [tilespmem:s23+$0xC801 ss:$0x0], $0xffff;
	v27 =	vadd.f32 v43, v27;
	v24 =	vadd.f32 v24, v28  }
0x17c: {  	v48 =	vld.msk [tilespmem:s23+$0xC891 ss:$0x0], $0xffff;
	v50 =	vadd.f32 v44, v25;
	v13 =	vadd.f32 v13, v23  }
0x17d: {  	v49 =	vadd.f32 v45, v27;
	v14 =	vadd.f32 v14, v24  }
0x17e: {  	v52 =	vadd.f32 v62, v50;
	v13 =	vadd.f32 v13, v22  }
0x17f: {  	v51 =	vadd.f32 v63, v49;
	v14 =	vadd.f32 v14, v21  }
0x180: {  	v18 =	vmul.f32 v47, v18;
	v17 =	vmul.f32 v47, v17;
	v21 =	vadd.f32 v46, v52  }
0x181: {  	v13 =	vmul.f32 v48, v13;
	v20 =	vadd.f32 v51, v20;
	v14 =	vmul.f32 v48, v14  }
0x182: {  	v16 =	vmul.f32 v47, v16;
	v54 =	vadd.f32 v21, v19  }
0x183: {  	v13 =	vadd.f32 v13, v18;
	v53 =	vmul.f32 v48, v20;
	v14 =	vadd.f32 v14, v17  }
0x184: {  	v15 =	vmul.f32 v47, v15;
	v18 =	vmul.f32 v48, v54  }
0x185: {  	v16 =	vadd.f32 v53, v16;
	v55 =	vmul.f32 v13, v0;
	v56 =	vmul.f32 v14, v1  }
0x186: {  	v58 =	vmul.f32 v13, v4;
	v13 =	vmul.f32 v13, v8;
	v15 =	vadd.f32 v18, v15  }
0x187: {  	v59 =	vmul.f32 v14, v5;
	v57 =	vmul.f32 v16, v2;
	v17 =	vadd.f32 v56, v55  }
0x188: {  	v14 =	vmul.f32 v14, v9;
	v61 =	vmul.f32 v16, v6  }
0x189: {  	v60 =	vmul.f32 v15, v3;
	v18 =	vadd.f32 v59, v58;
	v17 =	vadd.f32 v17, v57  }
0x18a: {  	v62 =	vmul.f32 v15, v7;
	v13 =	vadd.f32 v14, v13  }
0x18b: {  	v14 =	vmul.f32 v16, v10;
	v18 =	vadd.f32 v18, v61;
	v17 =	vadd.f32 v17, v60;
	_ =	sdelay $0x1  }
0x18c: {  	v13 =	vadd.f32 v13, v14;
	v14 =	vmul.f32 v15, v11;
	v63 =	vadd.f32 v18, v62;
	(xrf2) =	vadd.scan.msk.f32 $0xffff, v17;
	_ =	sdelay $0x1  }
0x18d: {  	v13 =	vadd.f32 v13, v14;
	(xrf2) =	vadd.scan.msk.f32 $0xffff, v63;
	_ =	sdelay $0x1  }
0x18e: {  	(xrf2) =	vadd.scan.msk.f32 $0xffff, v13;
	_ =	sdelay $0x5  }
0x18f: {  	v13, _, _ =	vpop (xrf2)  }
0x190: {  	v13 =	vbroadcast v13, $0xF  }
0x191: {  	v14, _, _ =	vpop (xrf2)  }
0x192: {  	v14 =	vbroadcast v14, $0xF;
	v13 =	vnsel vm0, $0x0, v13  }
0x193: {  	s22 =	sadd.s32 $0x1, s22;
	v15, _, _ =	vpop (xrf2);
	v13 =	vadd.f32 v13, v12  }
0x194: {  	p0 =	sne.s32 s22, $0x40;
	v15 =	vbroadcast v15, $0xF;
	v14 =	vnsel vm1, $0x0, v14  }
.Ltmp4:
0x195: {  	v13 =	vadd.f32 v13, v14;
	(pc) =	sbr.rel @p0 .LBB2_2-.Ltmp4, $3  }
0x196: {  	v14 =	vnsel vm2, $0x0, v15  }
0x197: {  	v13 =	vadd.f32 v13, v14;
	_ =	sdelay $0x1  }
0x198: {  	[tilespmem:s24+$0x19200] =	vst v13  }
0x199: {  	s21 =	sadd.s32 $0x1, s21  }
0x19a: {  	p0 =	sne.s32 s21, s11  }
.Ltmp5:
0x19b: {  	_ = 	snop;
	(pc) =	sbr.rel @p0 .LBB2_1-.Ltmp5, $4  }
0x19c: {  	[hbm4b:s10+s2] =	stream.linear.scatter [tilespmem:s19], [sflag:$0x5], $0x800, $0x38;
	[tilespmem:$0x199F0] =	vst v63  }
0x19d: {  	_ =	swait.ge [sflag:s12], $0x800  }
0x19e: {  	[sflag:s12] =	ssyncset.done $0x0  }
0x19f: {  	[sflag:s12] =	ssyncadd.s32 $0xFFFFF800  }
0x1a0: {  	_ =	sfence.sel $0x180000  }
0x1a1: {  	[bflag:$0x0] =	sbarrier.arrive $0xFFFF  }
0x1a2: {  	_ =	strace $0x90000047  }
0x1a3: {  	s0 =	stileid.u32;
	[bflag:$0x2] =	sbarrier.arrive $0xFFFF  }
0x1a4: {  	p0 =	sne.s32 s0, $0x0;
	s0 =	rddreg [dreg:$0x2]  }
0x1a5: {  	s0 =	sadd.s32 @!p0 $0x100000, s0  }
0x1a6: {  	[sflag:s0] =	ssyncadd.tile.s32 @!p0 $0x1;
	_ =	shalt  }
.Lfunc_end2:
_tile_overlayer_lowered:
.L_overlay_start_2:
0x1a7: {  	(tag) =	ssettag $0x2  }
0x1a8: {  	s0 =	rddreg [dreg:$0x0];
	s2 =	stileid.u32  }
0x1a9: {  	s1 =	rddreg [dreg:$0x1];
	p0 =	sne.s32 s2, $0x0  }
0x1aa: {  	s3 =	rddreg [dreg:$0x2];
	[bflag:$0x3] =	sbarrier.arrive $0xFFFF;
	s2 =	simm.s32 @!p0 $0x1C05  }
0x1ab: {  	[timem:s3], [sflag:s2] =	dma.local @!p0 [hbm:s0], s1  }
0x1ac: {  	s0 =	simm.s32 @!p0 $0x5  }
0x1ad: {  	_ =	swait.ge @!p0 [sflag:s0], s1  }
0x1ae: {  	s1 =	ssub.s32 @!p0 $0x0, s1;
	[sflag:s0] =	ssyncset.done @!p0 $0x0  }
0x1af: {  	[sflag:s0] =	ssyncadd.s32 @!p0 s1  }
0x1b0: {  	[bflag:$0x3] =	sbarrier.arrive $0xFFFF  }
0x1b1: {  	_ =	shalt  }

</sc_bundles>
